<compile_context>
chip_gen: v7x
topology: tpu7x:2x2x1
jax: 0.10.2.dev20260603
libtpu: 0.0.44.dev20260713+nightly
codegen_flags: <defaults>
</compile_context>

<pallas_src>
import functools

import jax
import jax.numpy as jnp
from jax import lax
from jax.experimental import pallas as pl
from jax.experimental.pallas import tpu as pltpu
from jax.experimental.pallas import tpu_sc as plsc

N = 10000
E = 320000
D = 128

NC = 2
NS = 16
NW = NC * NS

NP = 10240
EP = NW * NP
EPW = EP // NW
CB = 128
NCHUNK = EPW // CB
NCH_F = 130
NCH_S = 2 * NCHUNK - NCH_F
FAST_CID = 0
DGF = 1088
DGS = 2 * (EPW // 16) - DGF
AGR = 10008
AGT = 632
ROWS = NP // 128
NPT = NP // NS

_mesh = plsc.VectorSubcoreMesh(core_axis_name="c", subcore_axis_name="s")


@functools.partial(
    pl.kernel,
    out_type=jax.ShapeDtypeStruct((NC, NS, 2, NP), jnp.float32),
    mesh=_mesh,
    compiler_params=pltpu.CompilerParams(needs_layout_passes=False),
    scratch_types=[
        pltpu.VMEM((DGF * 16,), jnp.int32),
        pltpu.VMEM((NP,), jnp.float32),
        pltpu.VMEM((NP,), jnp.float32),
    ],
)
def _deg_kernel(sd_hbm, out_hbm, sdidx, hist_s, hist_d):
  cid = lax.axis_index("c")
  sid = lax.axis_index("s")

  is_fast = cid == FAST_CID
  ngr = jnp.where(is_fast, DGF, DGS)
  base_el = jnp.where(is_fast, sid * DGF * 16,
                      NS * DGF * 16 + sid * DGS * 16)
  ld_base = jnp.minimum(base_el, EP - DGF * 16)
  off = base_el - ld_base

  zeros16 = jnp.zeros((16,), jnp.float32)
  ones16 = jnp.ones((16,), jnp.float32)

  def zbody(i, carry):
    hist_s[pl.ds(i * 16, 16)] = zeros16
    hist_d[pl.ds(i * 16, 16)] = zeros16
    return carry

  lax.fori_loop(0, NP // 16, zbody, 0)

  pltpu.sync_copy(sd_hbm.at[pl.ds(ld_base, DGF * 16)], sdidx)

  def hbody(i, carry):
    v = sdidx[pl.ds(off + i * 16, 16)]
    plsc.addupdate_scatter(hist_s, [v & 0xFFFF], ones16)
    plsc.addupdate_scatter(hist_d, [v >> 16], ones16)
    return carry

  lax.fori_loop(0, ngr, hbody, 0)

  pltpu.sync_copy(hist_s, out_hbm.at[cid, sid, 0])
  pltpu.sync_copy(hist_d, out_hbm.at[cid, sid, 1])


@functools.partial(
    pl.kernel,
    out_type=jax.ShapeDtypeStruct((NC, NP, D), jnp.float32),
    mesh=_mesh,
    scratch_types=[
        pltpu.VMEM((NCH_F * CB,), jnp.int32),
        pltpu.VMEM((NCH_F * CB,), jnp.int32),
        pltpu.VMEM((CB, D), jnp.float32),
        pltpu.VMEM_SHARED((AGR, D), jnp.float32),
        pltpu.SemaphoreType.DMA,
    ],
)
def _gs_kernel(h_hbm, sd_hbm, out_hbm,
               sidx, didx, buf0, agg_sh, sem0):
  cid = lax.axis_index("c")
  sid = lax.axis_index("s")

  is_fast = cid == FAST_CID
  nch = jnp.where(is_fast, NCH_F, NCH_S)
  base = jnp.where(is_fast, sid * NCH_F, NS * NCH_F + sid * NCH_S)

  pltpu.sync_copy(h_hbm.at[pl.ds(NP - CB, CB)], buf0)
  for k in range(4):
    pltpu.sync_copy(buf0, agg_sh.at[pl.ds(sid * AGT + k * CB, CB)])

  @pl.when(sid < NS - 1)
  def _():
    pltpu.sync_copy(buf0.at[pl.ds(0, 120)],
                    agg_sh.at[pl.ds(sid * AGT + 512, 120)])

  @pl.when(sid == NS - 1)
  def _():
    pltpu.sync_copy(buf0.at[pl.ds(0, 16)],
                    agg_sh.at[pl.ds((NS - 1) * AGT + 512, 16)])
  ld_base = jnp.minimum(base * CB, EP - NCH_F * CB)
  off = base * CB - ld_base
  pltpu.sync_copy(sd_hbm.at[pl.ds(ld_base, NCH_F * CB)], sidx)

  def ubody(i, carry):
    v = sidx[pl.ds(i * 16, 16)]
    sidx[pl.ds(i * 16, 16)] = v & 0xFFFF
    didx[pl.ds(i * 16, 16)] = v >> 16
    return carry

  lax.fori_loop(0, NCH_F * CB // 16, ubody, 0)
  plsc.subcore_barrier()

  def body(j, carry):
    s = off + j * CB
    pltpu.async_copy(h_hbm.at[sidx.at[pl.ds(s, CB)]], buf0, sem0).wait()
    pltpu.sync_copy(buf0, agg_sh.at[didx.at[pl.ds(s, CB)]], add=True)
    return carry

  lax.fori_loop(0, nch, body, 0)

  plsc.subcore_barrier()

  @pl.when(sid < NS - 1)
  def _():
    pltpu.sync_copy(agg_sh.at[pl.ds(sid * AGT, AGT)],
                    out_hbm.at[cid, pl.ds(sid * AGT, AGT)])

  @pl.when(sid == NS - 1)
  def _():
    pltpu.sync_copy(agg_sh.at[pl.ds((NS - 1) * AGT, 528)],
                    out_hbm.at[cid, pl.ds((NS - 1) * AGT, 528)])


def _nrm_body(dp_ref, o_ref):
  x = dp_ref[...]
  row = lax.broadcasted_iota(jnp.int32, (2 * NW, _BN), 0)
  even = (row & 1) == 0
  s_src = jnp.sum(jnp.where(even, x, 0.0), axis=0, keepdims=True)
  s_dst = jnp.sum(jnp.where(even, 0.0, x), axis=0, keepdims=True)
  deg = jnp.concatenate([s_src, s_dst], axis=0)
  o_ref[...] = lax.rsqrt(jnp.maximum(deg, 1.0))


def _nrm_call(degp64):
  return pl.pallas_call(
      _nrm_body,
      grid=(NP // _BN,),
      in_specs=[pl.BlockSpec((2 * NW, _BN), lambda i: (0, i))],
      out_specs=pl.BlockSpec((2, _BN), lambda i: (0, i)),
      out_shape=jax.ShapeDtypeStruct((2, NP), jnp.float32),
  )(degp64)


def _mm_body(x_ref, w_ref, ns_ref, o_ref):
  h = jnp.dot(x_ref[...], w_ref[...], preferred_element_type=jnp.float32)
  o_ref[...] = h * ns_ref[...]


_BN = 1024
_NBLK = NP // _BN


def _mm_call(x_pad, W, ns):
  return pl.pallas_call(
      _mm_body,
      grid=(_NBLK,),
      in_specs=[
          pl.BlockSpec((_BN, D), lambda i: (i, 0)),
          pl.BlockSpec((D, D), lambda i: (0, 0)),
          pl.BlockSpec((_BN, 1), lambda i: (i, 0)),
      ],
      out_specs=pl.BlockSpec((_BN, D), lambda i: (i, 0)),
      out_shape=jax.ShapeDtypeStruct((NP, D), jnp.float32),
  )(x_pad, W, ns)


def _comb_body(p0_ref, p1_ref, nd_ref, b_ref, h2_ref, st_ref):
  i = pl.program_id(0)
  h = (p0_ref[...] + p1_ref[...]) * nd_ref[...] + b_ref[...]
  h2_ref[...] = h
  rows = lax.broadcasted_iota(jnp.int32, (_BN, D), 0) + i * _BN
  hm = jnp.where(rows < N, h, 0.0)
  s1 = jnp.sum(hm, axis=0, keepdims=True)
  s2 = jnp.sum(hm * hm, axis=0, keepdims=True)
  acc = jnp.concatenate(
      [s1, s2, jnp.zeros((6, D), jnp.float32)], axis=0)

  @pl.when(i == 0)
  def _():
    st_ref[...] = acc

  @pl.when(i > 0)
  def _():
    st_ref[...] = st_ref[...] + acc


def _comb_call(p0, p1, nd, b2):
  return pl.pallas_call(
      _comb_body,
      grid=(_NBLK,),
      in_specs=[
          pl.BlockSpec((_BN, D), lambda i: (i, 0)),
          pl.BlockSpec((_BN, D), lambda i: (i, 0)),
          pl.BlockSpec((_BN, 1), lambda i: (i, 0)),
          pl.BlockSpec((1, D), lambda i: (0, 0)),
      ],
      out_specs=[
          pl.BlockSpec((_BN, D), lambda i: (i, 0)),
          pl.BlockSpec((8, D), lambda i: (0, 0)),
      ],
      out_shape=[
          jax.ShapeDtypeStruct((NP, D), jnp.float32),
          jax.ShapeDtypeStruct((8, D), jnp.float32),
      ],
  )(p0, p1, nd, b2)


def _bn_body(h2_ref, st_ref, g_ref, be_ref, x_ref, o_ref):
  mean = st_ref[0:1, :] * (1.0 / N)
  ex2 = st_ref[1:2, :] * (1.0 / N)
  var = ex2 - mean * mean
  inv = lax.rsqrt(var + 1e-5)
  hn = (h2_ref[...] - mean) * inv * g_ref[...] + be_ref[...]
  out = jnp.where(hn > 0, hn, jnp.exp(jnp.minimum(hn, 0.0)) - 1.0)
  o_ref[...] = x_ref[...] + out


def _bn_call(h2, stats, g2, be2, x):
  return pl.pallas_call(
      _bn_body,
      grid=(_NBLK,),
      in_specs=[
          pl.BlockSpec((_BN, D), lambda i: (i, 0)),
          pl.BlockSpec((8, D), lambda i: (0, 0)),
          pl.BlockSpec((1, D), lambda i: (0, 0)),
          pl.BlockSpec((1, D), lambda i: (0, 0)),
          pl.BlockSpec((_BN, D), lambda i: (i, 0)),
      ],
      out_specs=pl.BlockSpec((_BN, D), lambda i: (i, 0)),
      out_shape=jax.ShapeDtypeStruct((N, D), jnp.float32),
  )(h2, stats, g2, be2, x)


@jax.jit
def kernel(x, edge_index, W, b, gamma, beta):
  src = edge_index[0]
  dst = edge_index[1]
  pad = jnp.full((EP - E,), N, jnp.int32)
  src_p = jnp.concatenate([src, pad])
  dst_p = jnp.concatenate([dst, pad])
  sd_p = src_p | (dst_p << 16)
  degp = _deg_kernel(sd_p)
  norms = lax.rsqrt(jnp.maximum(degp.sum(axis=(0, 1)), 1.0))
  ns = norms[0][:, None]
  nd = norms[1][:, None]

  x_pad = jnp.concatenate(
      [x, jnp.zeros((NP - N, D), jnp.float32)], axis=0)
  h_scaled = _mm_call(x_pad, W, ns)

  parts = _gs_kernel(h_scaled, sd_p)

  h2, stats = _comb_call(parts[0], parts[1], nd, b.reshape(1, D))
  return _bn_call(h2, stats, gamma.reshape(1, D), beta.reshape(1, D), x)

# --- scband reference (transcript-rebuilt; emitter-appended) ---
"""Pipeline reference for scband-gcnlayer-37666863186378 (READ-ONLY COPY).

The authoritative reference and input builder live on the scoring server;
editing this copy changes nothing except your own understanding.
"""

import jax, jax.numpy as jnp
import numpy as np

N = 10000
E = 320000
D = 128

def setup_inputs(seed: int = 0):
    key = jax.random.key(seed)
    k1, k2, k3 = jax.random.split(key, 3)
    x = jax.random.normal(k1, (N, D), dtype=jnp.float32)
    edge_index = jax.random.randint(k2, (2, E), 0, N, dtype=jnp.int32)
    W = jax.random.normal(k3, (D, D), dtype=jnp.float32) * 0.05
    b = jnp.zeros((D,), jnp.float32)
    gamma = jnp.ones((D,), jnp.float32)
    beta = jnp.zeros((D,), jnp.float32)
    return {"x": x, "edge_index": edge_index, "W": W, "b": b, "gamma": gamma, "beta": beta}

def reference(x, edge_index, W, b, gamma, beta):
    # GCNLayer forward: dropout(p=0) -> GraphConv(norm='both') -> BatchNorm1d (train mode, batch stats) -> ELU -> residual
    src = edge_index[0]
    dst = edge_index[1]
    ones = jnp.ones((E,), jnp.float32)
    deg_out = jnp.clip(jax.ops.segment_sum(ones, src, num_segments=N), 1.0, None)
    deg_in = jnp.clip(jax.ops.segment_sum(ones, dst, num_segments=N), 1.0, None)
    norm_src = deg_out ** -0.5
    norm_dst = deg_in ** -0.5
    h_in = x  # dropout p=0.0 is identity
    # GraphConv: W applied then D^{-1/2} A D^{-1/2} aggregation (order commutes mathematically)
    h = h_in @ W
    m = h[src] * norm_src[src][:, None]
    agg = jax.ops.segment_sum(m, dst, num_segments=N)
    h = agg * norm_dst[:, None] + b
    # BatchNorm1d in training mode: normalize with batch statistics (biased variance)
    mean = jnp.mean(h, axis=0)
    var = jnp.var(h, axis=0)
    hn = (h - mean) / jnp.sqrt(var + 1e-5) * gamma + beta
    out = jax.nn.elu(hn)
    return h_in + out

if __name__ == "__main__":
    import jax
    _d = setup_inputs()
    print(jax.jit(kernel)(*tuple(_d.values())))

</pallas_src>

<mosaic_0001>
#map = affine_map<(d0, d1) -> (0)>
#map1 = affine_map<(d0, d1) -> (0, 0, 0, 0)>
module attributes {stable_mosaic.version = 14 : i64} {
  func.func @_deg_kernel(%arg0: i32, %arg1: i32, %arg2: memref<327680xi32, #tpu.memory_space<hbm>>, %arg3: memref<2x16x2x10240xf32, #tpu.memory_space<hbm>>, %arg4: memref<17408xi32, #tpu.memory_space<vmem>>, %arg5: memref<10240xf32, #tpu.memory_space<vmem>>, %arg6: memref<10240xf32, #tpu.memory_space<vmem>>) attributes {dimension_semantics = [#tpu.dimension_semantics<core_parallel>, #tpu.dimension_semantics<subcore_parallel>], iteration_bounds = array<i64: 2, 16>, scalar_prefetch = 0 : i64, scratch_operands = 3 : i64, tpu.core_type = #tpu.core_type<sc_vector_subcore>, window_params = [{transform_indices = #map}, {transform_indices = #map1}]} {
    %eq3A = arith.constant 0 : i32
    %eq3A_0 = arith.cmpi eq, %arg0, %eq3A : i32
    %jit3A = arith.constant 1088 : i32
    %jit3A_1 = arith.constant 192 : i32
    %select_n3A = arith.select %eq3A_0, %jit3A, %jit3A_1 : i32
    %mul3A = arith.constant 1088 : i32
    %mul3A_2 = arith.muli %arg1, %mul3A : i32
    %mul3A_3 = arith.constant 16 : i32
    %mul3A_4 = arith.muli %mul3A_2, %mul3A_3 : i32
    %mul3A_5 = arith.constant 192 : i32
    %mul3A_6 = arith.muli %arg1, %mul3A_5 : i32
    %mul3A_7 = arith.constant 16 : i32
    %mul3A_8 = arith.muli %mul3A_6, %mul3A_7 : i32
    %add3A = arith.constant 278528 : i32
    %add3A_9 = arith.addi %add3A, %mul3A_8 : i32
    %select_n3A_10 = arith.select %eq3A_0, %mul3A_4, %add3A_9 : i32
    %min3A = arith.constant 310272 : i32
    %min3A_11 = arith.minsi %select_n3A_10, %min3A : i32
    %sub3A = arith.subi %select_n3A_10, %min3A_11 : i32
    %broadcast_in_dim3A = arith.constant 0.000000e+00 : f32
    %broadcast_in_dim3A_12 = vector.broadcast %broadcast_in_dim3A : f32 to vector<16xf32>
    %broadcast_in_dim3A_13 = arith.constant 1.000000e+00 : f32
    %broadcast_in_dim3A_14 = vector.broadcast %broadcast_in_dim3A_13 : f32 to vector<16xf32>
    %scan3A = arith.constant 0 : i32
    %scan3A_15 = arith.constant 0 : i32
    %scan3A_16 = arith.constant 640 : i32
    %scan3A_17 = arith.addi %scan3A_15, %scan3A_16 : i32
    %scan3A_18 = arith.constant 1 : i32
    scf.for %scan3A_30 = %scan3A_15 to %scan3A_17 step %scan3A_18  : i32 {
      %mul3A_31 = arith.constant 16 : i32
      %mul3A_32 = arith.muli %scan3A_30, %mul3A_31 : i32
      %swap3A = arith.index_cast %mul3A_32 : i32 to index
      %swap3A_33 = tpu.vector_load %arg5[%swap3A] {strides = array<i32>} : memref<10240xf32, #tpu.memory_space<vmem>>, vector<16xf32>,
      tpu.vector_store %arg5[%swap3A], %broadcast_in_dim3A_12 {strides = array<i32>} : memref<10240xf32, #tpu.memory_space<vmem>>, vector<16xf32>,
      %mul3A_34 = arith.constant 16 : i32
      %mul3A_35 = arith.muli %scan3A_30, %mul3A_34 : i32
      %swap3A_36 = arith.index_cast %mul3A_35 : i32 to index
      %swap3A_37 = tpu.vector_load %arg6[%swap3A_36] {strides = array<i32>} : memref<10240xf32, #tpu.memory_space<vmem>>, vector<16xf32>,
      tpu.vector_store %arg6[%swap3A_36], %broadcast_in_dim3A_12 {strides = array<i32>} : memref<10240xf32, #tpu.memory_space<vmem>>, vector<16xf32>,
    }
    %scan3A_19 = arith.constant 640 : i32
    "tpu.region"() ({
      %run_scoped3A_30 = tpu.sem_alloc : memref<!tpu.dma_semaphore, #tpu.memory_space<semaphore_mem>>
      %dma_start3A = tpu.memref_slice %arg2[%min3A_11] : memref<327680xi32, #tpu.memory_space<hbm>> -> memref<17408xi32, #tpu.memory_space<hbm>>
      %dma_start3A_31 = tpu.memref_slice %arg2[%min3A_11] : memref<327680xi32, #tpu.memory_space<hbm>> -> memref<17408xi32, #tpu.memory_space<hbm>>
      tpu.enqueue_dma source(%dma_start3A_31 : memref<17408xi32, #tpu.memory_space<hbm>>) target(%arg4 : memref<17408xi32, #tpu.memory_space<vmem>>) target_semaphore(%run_scoped3A_30 : memref<!tpu.dma_semaphore, #tpu.memory_space<semaphore_mem>>)
      %dma_wait3A = tpu.memref_slice %arg2[%min3A_11] : memref<327680xi32, #tpu.memory_space<hbm>> -> memref<17408xi32, #tpu.memory_space<hbm>>
      %dma_wait3A_32 = tpu.memref_slice %arg2[%min3A_11] : memref<327680xi32, #tpu.memory_space<hbm>> -> memref<17408xi32, #tpu.memory_space<hbm>>
      tpu.wait_dma2 semaphore(%run_scoped3A_30 : memref<!tpu.dma_semaphore, #tpu.memory_space<semaphore_mem>>) src(%dma_wait3A_32 : memref<17408xi32, #tpu.memory_space<hbm>>) dst(%arg4 : memref<17408xi32, #tpu.memory_space<vmem>>)
      tpu.yield
    }) : () -> ()
    %while3A = arith.constant 0 : i32
    %while3A_20 = arith.constant 0 : i32
    %while3A_21 = arith.subi %select_n3A, %while3A_20 : i32
    %while3A_22 = arith.addi %while3A_20, %while3A_21 : i32
    %while3A_23 = arith.constant 1 : i32
    %while3A_24 = arith.divsi %while3A_21, %while3A_23 : i32
    %while3A_25 = arith.muli %while3A_24, %while3A_23 : i32
    %while3A_26 = arith.addi %while3A_20, %while3A_25 : i32
    %while3A_27 = arith.constant 1 : i32
    scf.for %while3A_30 = %while3A_20 to %while3A_26 step %while3A_27  : i32 {
      %mul3A_31 = arith.constant 16 : i32
      %mul3A_32 = arith.muli %while3A_30, %mul3A_31 : i32
      %add3A_33 = arith.addi %sub3A, %mul3A_32 : i32
      %get3A = arith.index_cast %add3A_33 : i32 to index
      %get3A_34 = tpu.vector_load %arg4[%get3A] {strides = array<i32>} : memref<17408xi32, #tpu.memory_space<vmem>>, vector<16xi32>,
      %and3A = arith.constant 65535 : i32
      %and3A_35 = vector.broadcast %and3A : i32 to vector<16xi32>
      %and3A_36 = arith.andi %get3A_34, %and3A_35 : vector<16xi32>
      tpu.vector_store_idx %arg5[%and3A_36], %broadcast_in_dim3A_14 {add = true} : memref<10240xf32, #tpu.memory_space<vmem>>[vector<16xi32>], vector<16xf32>,
      %shift_right_arithmetic3A = arith.constant 16 : i32
      %shift_right_arithmetic3A_37 = vector.broadcast %shift_right_arithmetic3A : i32 to vector<16xi32>
      %shift_right_arithmetic3A_38 = arith.shrsi %get3A_34, %shift_right_arithmetic3A_37 : vector<16xi32>
      tpu.vector_store_idx %arg6[%shift_right_arithmetic3A_38], %broadcast_in_dim3A_14 {add = true} : memref<10240xf32, #tpu.memory_space<vmem>>[vector<16xi32>], vector<16xf32>,
    }
    %while3A_28 = arith.constant 1 : i32
    scf.for %while3A_30 = %while3A_26 to %while3A_22 step %while3A_28  : i32 {
      %mul3A_31 = arith.constant 16 : i32
      %mul3A_32 = arith.muli %while3A_30, %mul3A_31 : i32
      %add3A_33 = arith.addi %sub3A, %mul3A_32 : i32
      %get3A = arith.index_cast %add3A_33 : i32 to index
      %get3A_34 = tpu.vector_load %arg4[%get3A] {strides = array<i32>} : memref<17408xi32, #tpu.memory_space<vmem>>, vector<16xi32>,
      %and3A = arith.constant 65535 : i32
      %and3A_35 = vector.broadcast %and3A : i32 to vector<16xi32>
      %and3A_36 = arith.andi %get3A_34, %and3A_35 : vector<16xi32>
      tpu.vector_store_idx %arg5[%and3A_36], %broadcast_in_dim3A_14 {add = true} : memref<10240xf32, #tpu.memory_space<vmem>>[vector<16xi32>], vector<16xf32>,
      %shift_right_arithmetic3A = arith.constant 16 : i32
      %shift_right_arithmetic3A_37 = vector.broadcast %shift_right_arithmetic3A : i32 to vector<16xi32>
      %shift_right_arithmetic3A_38 = arith.shrsi %get3A_34, %shift_right_arithmetic3A_37 : vector<16xi32>
      tpu.vector_store_idx %arg6[%shift_right_arithmetic3A_38], %broadcast_in_dim3A_14 {add = true} : memref<10240xf32, #tpu.memory_space<vmem>>[vector<16xi32>], vector<16xf32>,
    }
    %run_scoped3A = arith.constant 0 : i32
    "tpu.region"() ({
      %run_scoped3A_30 = tpu.sem_alloc : memref<!tpu.dma_semaphore, #tpu.memory_space<semaphore_mem>>
      %dma_start3A = arith.constant 0 : i32
      %dma_start3A_31 = tpu.memref_slice %arg3[%arg0, %arg1, %run_scoped3A, %dma_start3A] : memref<2x16x2x10240xf32, #tpu.memory_space<hbm>> -> memref<1x1x1x10240xf32, #tpu.memory_space<hbm>>
      %dma_start3A_32 = tpu.memref_squeeze %dma_start3A_31 : memref<1x1x1x10240xf32, #tpu.memory_space<hbm>> -> memref<10240xf32, #tpu.memory_space<hbm>>
      %dma_start3A_33 = arith.constant 0 : i32
      %dma_start3A_34 = tpu.memref_slice %arg3[%arg0, %arg1, %run_scoped3A, %dma_start3A_33] : memref<2x16x2x10240xf32, #tpu.memory_space<hbm>> -> memref<1x1x1x10240xf32, #tpu.memory_space<hbm>>
      %dma_start3A_35 = tpu.memref_squeeze %dma_start3A_34 : memref<1x1x1x10240xf32, #tpu.memory_space<hbm>> -> memref<10240xf32, #tpu.memory_space<hbm>>
      tpu.enqueue_dma source(%arg5 : memref<10240xf32, #tpu.memory_space<vmem>>) target(%dma_start3A_35 : memref<10240xf32, #tpu.memory_space<hbm>>) target_semaphore(%run_scoped3A_30 : memref<!tpu.dma_semaphore, #tpu.memory_space<semaphore_mem>>)
      %dma_wait3A = arith.constant 0 : i32
      %dma_wait3A_36 = tpu.memref_slice %arg3[%arg0, %arg1, %run_scoped3A, %dma_wait3A] : memref<2x16x2x10240xf32, #tpu.memory_space<hbm>> -> memref<1x1x1x10240xf32, #tpu.memory_space<hbm>>
      %dma_wait3A_37 = tpu.memref_squeeze %dma_wait3A_36 : memref<1x1x1x10240xf32, #tpu.memory_space<hbm>> -> memref<10240xf32, #tpu.memory_space<hbm>>
      %dma_wait3A_38 = arith.constant 0 : i32
      %dma_wait3A_39 = tpu.memref_slice %arg3[%arg0, %arg1, %run_scoped3A, %dma_wait3A_38] : memref<2x16x2x10240xf32, #tpu.memory_space<hbm>> -> memref<1x1x1x10240xf32, #tpu.memory_space<hbm>>
      %dma_wait3A_40 = tpu.memref_squeeze %dma_wait3A_39 : memref<1x1x1x10240xf32, #tpu.memory_space<hbm>> -> memref<10240xf32, #tpu.memory_space<hbm>>
      tpu.wait_dma2 semaphore(%run_scoped3A_30 : memref<!tpu.dma_semaphore, #tpu.memory_space<semaphore_mem>>) src(%arg5 : memref<10240xf32, #tpu.memory_space<vmem>>) dst(%dma_wait3A_40 : memref<10240xf32, #tpu.memory_space<hbm>>)
      tpu.yield
    }) : () -> ()
    %run_scoped3A_29 = arith.constant 1 : i32
    "tpu.region"() ({
      %run_scoped3A_30 = tpu.sem_alloc : memref<!tpu.dma_semaphore, #tpu.memory_space<semaphore_mem>>
      %dma_start3A = arith.constant 0 : i32
      %dma_start3A_31 = tpu.memref_slice %arg3[%arg0, %arg1, %run_scoped3A_29, %dma_start3A] : memref<2x16x2x10240xf32, #tpu.memory_space<hbm>> -> memref<1x1x1x10240xf32, #tpu.memory_space<hbm>>
      %dma_start3A_32 = tpu.memref_squeeze %dma_start3A_31 : memref<1x1x1x10240xf32, #tpu.memory_space<hbm>> -> memref<10240xf32, #tpu.memory_space<hbm>>
      %dma_start3A_33 = arith.constant 0 : i32
      %dma_start3A_34 = tpu.memref_slice %arg3[%arg0, %arg1, %run_scoped3A_29, %dma_start3A_33] : memref<2x16x2x10240xf32, #tpu.memory_space<hbm>> -> memref<1x1x1x10240xf32, #tpu.memory_space<hbm>>
      %dma_start3A_35 = tpu.memref_squeeze %dma_start3A_34 : memref<1x1x1x10240xf32, #tpu.memory_space<hbm>> -> memref<10240xf32, #tpu.memory_space<hbm>>
      tpu.enqueue_dma source(%arg6 : memref<10240xf32, #tpu.memory_space<vmem>>) target(%dma_start3A_35 : memref<10240xf32, #tpu.memory_space<hbm>>) target_semaphore(%run_scoped3A_30 : memref<!tpu.dma_semaphore, #tpu.memory_space<semaphore_mem>>)
      %dma_wait3A = arith.constant 0 : i32
      %dma_wait3A_36 = tpu.memref_slice %arg3[%arg0, %arg1, %run_scoped3A_29, %dma_wait3A] : memref<2x16x2x10240xf32, #tpu.memory_space<hbm>> -> memref<1x1x1x10240xf32, #tpu.memory_space<hbm>>
      %dma_wait3A_37 = tpu.memref_squeeze %dma_wait3A_36 : memref<1x1x1x10240xf32, #tpu.memory_space<hbm>> -> memref<10240xf32, #tpu.memory_space<hbm>>
      %dma_wait3A_38 = arith.constant 0 : i32
      %dma_wait3A_39 = tpu.memref_slice %arg3[%arg0, %arg1, %run_scoped3A_29, %dma_wait3A_38] : memref<2x16x2x10240xf32, #tpu.memory_space<hbm>> -> memref<1x1x1x10240xf32, #tpu.memory_space<hbm>>
      %dma_wait3A_40 = tpu.memref_squeeze %dma_wait3A_39 : memref<1x1x1x10240xf32, #tpu.memory_space<hbm>> -> memref<10240xf32, #tpu.memory_space<hbm>>
      tpu.wait_dma2 semaphore(%run_scoped3A_30 : memref<!tpu.dma_semaphore, #tpu.memory_space<semaphore_mem>>) src(%arg6 : memref<10240xf32, #tpu.memory_space<vmem>>) dst(%dma_wait3A_40 : memref<10240xf32, #tpu.memory_space<hbm>>)
      tpu.yield
    }) : () -> ()
    return
  }
}

#map = affine_map<(d0, d1) -> (0, 0)>
#map1 = affine_map<(d0, d1) -> (0)>
#map2 = affine_map<(d0, d1) -> (0, 0, 0)>
module attributes {stable_mosaic.version = 14 : i64} {
  func.func @_gs_kernel(%arg0: i32, %arg1: i32, %arg2: memref<10240x128xf32, #tpu.memory_space<hbm>>, %arg3: memref<327680xi32, #tpu.memory_space<hbm>>, %arg4: memref<2x10240x128xf32, #tpu.memory_space<hbm>>, %arg5: memref<16640xi32, #tpu.memory_space<vmem>>, %arg6: memref<16640xi32, #tpu.memory_space<vmem>>, %arg7: memref<128x128xf32, #tpu.memory_space<vmem>>, %arg8: memref<10008x128xf32, #tpu.memory_space<vmem_shared>>, %arg9: memref<!tpu.dma_semaphore, #tpu.memory_space<semaphore_mem>>) attributes {dimension_semantics = [#tpu.dimension_semantics<core_parallel>, #tpu.dimension_semantics<subcore_parallel>], iteration_bounds = array<i64: 2, 16>, scalar_prefetch = 0 : i64, scratch_operands = 5 : i64, tpu.core_type = #tpu.core_type<sc_vector_subcore>, window_params = [{transform_indices = #map}, {transform_indices = #map1}, {transform_indices = #map2}]} {
    %eq3A = arith.constant 0 : i32
    %eq3A_0 = arith.cmpi eq, %arg0, %eq3A : i32
    %jit3A = arith.constant 130 : i32
    %jit3A_1 = arith.constant 30 : i32
    %select_n3A = arith.select %eq3A_0, %jit3A, %jit3A_1 : i32
    %mul3A = arith.constant 130 : i32
    %mul3A_2 = arith.muli %arg1, %mul3A : i32
    %mul3A_3 = arith.constant 30 : i32
    %mul3A_4 = arith.muli %arg1, %mul3A_3 : i32
    %add3A = arith.constant 2080 : i32
    %add3A_5 = arith.addi %add3A, %mul3A_4 : i32
    %select_n3A_6 = arith.select %eq3A_0, %mul3A_2, %add3A_5 : i32
    "tpu.region"() ({
      %run_scoped3A = tpu.sem_alloc : memref<!tpu.dma_semaphore, #tpu.memory_space<semaphore_mem>>
      %dma_start3A = arith.constant 10112 : i32
      %dma_start3A_60 = arith.constant 0 : i32
      %dma_start3A_61 = tpu.memref_slice %arg2[%dma_start3A, %dma_start3A_60] : memref<10240x128xf32, #tpu.memory_space<hbm>> -> memref<128x128xf32, #tpu.memory_space<hbm>>
      %dma_start3A_62 = arith.constant 10112 : i32
      %dma_start3A_63 = arith.constant 0 : i32
      %dma_start3A_64 = tpu.memref_slice %arg2[%dma_start3A_62, %dma_start3A_63] : memref<10240x128xf32, #tpu.memory_space<hbm>> -> memref<128x128xf32, #tpu.memory_space<hbm>>
      tpu.enqueue_dma source(%dma_start3A_64 : memref<128x128xf32, #tpu.memory_space<hbm>>) target(%arg7 : memref<128x128xf32, #tpu.memory_space<vmem>>) target_semaphore(%run_scoped3A : memref<!tpu.dma_semaphore, #tpu.memory_space<semaphore_mem>>)
      %dma_wait3A = arith.constant 10112 : i32
      %dma_wait3A_65 = arith.constant 0 : i32
      %dma_wait3A_66 = tpu.memref_slice %arg2[%dma_wait3A, %dma_wait3A_65] : memref<10240x128xf32, #tpu.memory_space<hbm>> -> memref<128x128xf32, #tpu.memory_space<hbm>>
      %dma_wait3A_67 = arith.constant 10112 : i32
      %dma_wait3A_68 = arith.constant 0 : i32
      %dma_wait3A_69 = tpu.memref_slice %arg2[%dma_wait3A_67, %dma_wait3A_68] : memref<10240x128xf32, #tpu.memory_space<hbm>> -> memref<128x128xf32, #tpu.memory_space<hbm>>
      tpu.wait_dma2 semaphore(%run_scoped3A : memref<!tpu.dma_semaphore, #tpu.memory_space<semaphore_mem>>) src(%dma_wait3A_69 : memref<128x128xf32, #tpu.memory_space<hbm>>) dst(%arg7 : memref<128x128xf32, #tpu.memory_space<vmem>>)
      tpu.yield
    }) : () -> ()
    %mul3A_7 = arith.constant 632 : i32
    %mul3A_8 = arith.muli %arg1, %mul3A_7 : i32
    %add3A_9 = arith.constant 0 : i32
    %add3A_10 = arith.addi %mul3A_8, %add3A_9 : i32
    "tpu.region"() ({
      %run_scoped3A = tpu.sem_alloc : memref<!tpu.dma_semaphore, #tpu.memory_space<semaphore_mem>>
      %dma_start3A = arith.constant 0 : i32
      %dma_start3A_60 = tpu.memref_slice %arg8[%add3A_10, %dma_start3A] : memref<10008x128xf32, #tpu.memory_space<vmem_shared>> -> memref<128x128xf32, #tpu.memory_space<vmem_shared>>
      %dma_start3A_61 = arith.constant 0 : i32
      %dma_start3A_62 = tpu.memref_slice %arg8[%add3A_10, %dma_start3A_61] : memref<10008x128xf32, #tpu.memory_space<vmem_shared>> -> memref<128x128xf32, #tpu.memory_space<vmem_shared>>
      tpu.enqueue_dma source(%arg7 : memref<128x128xf32, #tpu.memory_space<vmem>>) target(%dma_start3A_62 : memref<128x128xf32, #tpu.memory_space<vmem_shared>>) target_semaphore(%run_scoped3A : memref<!tpu.dma_semaphore, #tpu.memory_space<semaphore_mem>>)
      %dma_wait3A = arith.constant 0 : i32
      %dma_wait3A_63 = tpu.memref_slice %arg8[%add3A_10, %dma_wait3A] : memref<10008x128xf32, #tpu.memory_space<vmem_shared>> -> memref<128x128xf32, #tpu.memory_space<vmem_shared>>
      %dma_wait3A_64 = arith.constant 0 : i32
      %dma_wait3A_65 = tpu.memref_slice %arg8[%add3A_10, %dma_wait3A_64] : memref<10008x128xf32, #tpu.memory_space<vmem_shared>> -> memref<128x128xf32, #tpu.memory_space<vmem_shared>>
      tpu.wait_dma2 semaphore(%run_scoped3A : memref<!tpu.dma_semaphore, #tpu.memory_space<semaphore_mem>>) src(%arg7 : memref<128x128xf32, #tpu.memory_space<vmem>>) dst(%dma_wait3A_65 : memref<128x128xf32, #tpu.memory_space<vmem_shared>>)
      tpu.yield
    }) : () -> ()
    %mul3A_11 = arith.constant 632 : i32
    %mul3A_12 = arith.muli %arg1, %mul3A_11 : i32
    %add3A_13 = arith.constant 128 : i32
    %add3A_14 = arith.addi %mul3A_12, %add3A_13 : i32
    "tpu.region"() ({
      %run_scoped3A = tpu.sem_alloc : memref<!tpu.dma_semaphore, #tpu.memory_space<semaphore_mem>>
      %dma_start3A = arith.constant 0 : i32
      %dma_start3A_60 = tpu.memref_slice %arg8[%add3A_14, %dma_start3A] : memref<10008x128xf32, #tpu.memory_space<vmem_shared>> -> memref<128x128xf32, #tpu.memory_space<vmem_shared>>
      %dma_start3A_61 = arith.constant 0 : i32
      %dma_start3A_62 = tpu.memref_slice %arg8[%add3A_14, %dma_start3A_61] : memref<10008x128xf32, #tpu.memory_space<vmem_shared>> -> memref<128x128xf32, #tpu.memory_space<vmem_shared>>
      tpu.enqueue_dma source(%arg7 : memref<128x128xf32, #tpu.memory_space<vmem>>) target(%dma_start3A_62 : memref<128x128xf32, #tpu.memory_space<vmem_shared>>) target_semaphore(%run_scoped3A : memref<!tpu.dma_semaphore, #tpu.memory_space<semaphore_mem>>)
      %dma_wait3A = arith.constant 0 : i32
      %dma_wait3A_63 = tpu.memref_slice %arg8[%add3A_14, %dma_wait3A] : memref<10008x128xf32, #tpu.memory_space<vmem_shared>> -> memref<128x128xf32, #tpu.memory_space<vmem_shared>>
      %dma_wait3A_64 = arith.constant 0 : i32
      %dma_wait3A_65 = tpu.memref_slice %arg8[%add3A_14, %dma_wait3A_64] : memref<10008x128xf32, #tpu.memory_space<vmem_shared>> -> memref<128x128xf32, #tpu.memory_space<vmem_shared>>
      tpu.wait_dma2 semaphore(%run_scoped3A : memref<!tpu.dma_semaphore, #tpu.memory_space<semaphore_mem>>) src(%arg7 : memref<128x128xf32, #tpu.memory_space<vmem>>) dst(%dma_wait3A_65 : memref<128x128xf32, #tpu.memory_space<vmem_shared>>)
      tpu.yield
    }) : () -> ()
    %mul3A_15 = arith.constant 632 : i32
    %mul3A_16 = arith.muli %arg1, %mul3A_15 : i32
    %add3A_17 = arith.constant 256 : i32
    %add3A_18 = arith.addi %mul3A_16, %add3A_17 : i32
    "tpu.region"() ({
      %run_scoped3A = tpu.sem_alloc : memref<!tpu.dma_semaphore, #tpu.memory_space<semaphore_mem>>
      %dma_start3A = arith.constant 0 : i32
      %dma_start3A_60 = tpu.memref_slice %arg8[%add3A_18, %dma_start3A] : memref<10008x128xf32, #tpu.memory_space<vmem_shared>> -> memref<128x128xf32, #tpu.memory_space<vmem_shared>>
      %dma_start3A_61 = arith.constant 0 : i32
      %dma_start3A_62 = tpu.memref_slice %arg8[%add3A_18, %dma_start3A_61] : memref<10008x128xf32, #tpu.memory_space<vmem_shared>> -> memref<128x128xf32, #tpu.memory_space<vmem_shared>>
      tpu.enqueue_dma source(%arg7 : memref<128x128xf32, #tpu.memory_space<vmem>>) target(%dma_start3A_62 : memref<128x128xf32, #tpu.memory_space<vmem_shared>>) target_semaphore(%run_scoped3A : memref<!tpu.dma_semaphore, #tpu.memory_space<semaphore_mem>>)
      %dma_wait3A = arith.constant 0 : i32
      %dma_wait3A_63 = tpu.memref_slice %arg8[%add3A_18, %dma_wait3A] : memref<10008x128xf32, #tpu.memory_space<vmem_shared>> -> memref<128x128xf32, #tpu.memory_space<vmem_shared>>
      %dma_wait3A_64 = arith.constant 0 : i32
      %dma_wait3A_65 = tpu.memref_slice %arg8[%add3A_18, %dma_wait3A_64] : memref<10008x128xf32, #tpu.memory_space<vmem_shared>> -> memref<128x128xf32, #tpu.memory_space<vmem_shared>>
      tpu.wait_dma2 semaphore(%run_scoped3A : memref<!tpu.dma_semaphore, #tpu.memory_space<semaphore_mem>>) src(%arg7 : memref<128x128xf32, #tpu.memory_space<vmem>>) dst(%dma_wait3A_65 : memref<128x128xf32, #tpu.memory_space<vmem_shared>>)
      tpu.yield
    }) : () -> ()
    %mul3A_19 = arith.constant 632 : i32
    %mul3A_20 = arith.muli %arg1, %mul3A_19 : i32
    %add3A_21 = arith.constant 384 : i32
    %add3A_22 = arith.addi %mul3A_20, %add3A_21 : i32
    "tpu.region"() ({
      %run_scoped3A = tpu.sem_alloc : memref<!tpu.dma_semaphore, #tpu.memory_space<semaphore_mem>>
      %dma_start3A = arith.constant 0 : i32
      %dma_start3A_60 = tpu.memref_slice %arg8[%add3A_22, %dma_start3A] : memref<10008x128xf32, #tpu.memory_space<vmem_shared>> -> memref<128x128xf32, #tpu.memory_space<vmem_shared>>
      %dma_start3A_61 = arith.constant 0 : i32
      %dma_start3A_62 = tpu.memref_slice %arg8[%add3A_22, %dma_start3A_61] : memref<10008x128xf32, #tpu.memory_space<vmem_shared>> -> memref<128x128xf32, #tpu.memory_space<vmem_shared>>
      tpu.enqueue_dma source(%arg7 : memref<128x128xf32, #tpu.memory_space<vmem>>) target(%dma_start3A_62 : memref<128x128xf32, #tpu.memory_space<vmem_shared>>) target_semaphore(%run_scoped3A : memref<!tpu.dma_semaphore, #tpu.memory_space<semaphore_mem>>)
      %dma_wait3A = arith.constant 0 : i32
      %dma_wait3A_63 = tpu.memref_slice %arg8[%add3A_22, %dma_wait3A] : memref<10008x128xf32, #tpu.memory_space<vmem_shared>> -> memref<128x128xf32, #tpu.memory_space<vmem_shared>>
      %dma_wait3A_64 = arith.constant 0 : i32
      %dma_wait3A_65 = tpu.memref_slice %arg8[%add3A_22, %dma_wait3A_64] : memref<10008x128xf32, #tpu.memory_space<vmem_shared>> -> memref<128x128xf32, #tpu.memory_space<vmem_shared>>
      tpu.wait_dma2 semaphore(%run_scoped3A : memref<!tpu.dma_semaphore, #tpu.memory_space<semaphore_mem>>) src(%arg7 : memref<128x128xf32, #tpu.memory_space<vmem>>) dst(%dma_wait3A_65 : memref<128x128xf32, #tpu.memory_space<vmem_shared>>)
      tpu.yield
    }) : () -> ()
    %lt3A = arith.constant 15 : i32
    %lt3A_23 = arith.cmpi slt, %arg1, %lt3A : i32
    %convert_element_type3A = arith.extui %lt3A_23 : i1 to i32
    %cond3A = arith.constant 0 : i32
    %cond3A_24 = arith.cmpi ne, %convert_element_type3A, %cond3A : i32
    scf.if %cond3A_24 {
      %mul3A_60 = arith.constant 632 : i32
      %mul3A_61 = arith.muli %arg1, %mul3A_60 : i32
      %add3A_62 = arith.constant 512 : i32
      %add3A_63 = arith.addi %mul3A_61, %add3A_62 : i32
      "tpu.region"() ({
        %run_scoped3A = tpu.sem_alloc : memref<!tpu.dma_semaphore, #tpu.memory_space<semaphore_mem>>
        %dma_start3A = arith.constant 0 : i32
        %dma_start3A_64 = arith.constant 0 : i32
        %dma_start3A_65 = tpu.memref_slice %arg7[%dma_start3A, %dma_start3A_64] : memref<128x128xf32, #tpu.memory_space<vmem>> -> memref<120x128xf32, #tpu.memory_space<vmem>>
        %dma_start3A_66 = arith.constant 0 : i32
        %dma_start3A_67 = tpu.memref_slice %arg8[%add3A_63, %dma_start3A_66] : memref<10008x128xf32, #tpu.memory_space<vmem_shared>> -> memref<120x128xf32, #tpu.memory_space<vmem_shared>>
        %dma_start3A_68 = arith.constant 0 : i32
        %dma_start3A_69 = tpu.memref_slice %arg8[%add3A_63, %dma_start3A_68] : memref<10008x128xf32, #tpu.memory_space<vmem_shared>> -> memref<120x128xf32, #tpu.memory_space<vmem_shared>>
        %dma_start3A_70 = arith.constant 0 : i32
        %dma_start3A_71 = arith.constant 0 : i32
        %dma_start3A_72 = tpu.memref_slice %arg7[%dma_start3A_70, %dma_start3A_71] : memref<128x128xf32, #tpu.memory_space<vmem>> -> memref<120x128xf32, #tpu.memory_space<vmem>>
        tpu.enqueue_dma source(%dma_start3A_72 : memref<120x128xf32, #tpu.memory_space<vmem>>) target(%dma_start3A_69 : memref<120x128xf32, #tpu.memory_space<vmem_shared>>) target_semaphore(%run_scoped3A : memref<!tpu.dma_semaphore, #tpu.memory_space<semaphore_mem>>)
        %dma_wait3A = arith.constant 0 : i32
        %dma_wait3A_73 = arith.constant 0 : i32
        %dma_wait3A_74 = tpu.memref_slice %arg7[%dma_wait3A, %dma_wait3A_73] : memref<128x128xf32, #tpu.memory_space<vmem>> -> memref<120x128xf32, #tpu.memory_space<vmem>>
        %dma_wait3A_75 = arith.constant 0 : i32
        %dma_wait3A_76 = tpu.memref_slice %arg8[%add3A_63, %dma_wait3A_75] : memref<10008x128xf32, #tpu.memory_space<vmem_shared>> -> memref<120x128xf32, #tpu.memory_space<vmem_shared>>
        %dma_wait3A_77 = arith.constant 0 : i32
        %dma_wait3A_78 = tpu.memref_slice %arg8[%add3A_63, %dma_wait3A_77] : memref<10008x128xf32, #tpu.memory_space<vmem_shared>> -> memref<120x128xf32, #tpu.memory_space<vmem_shared>>
        %dma_wait3A_79 = arith.constant 0 : i32
        %dma_wait3A_80 = arith.constant 0 : i32
        %dma_wait3A_81 = tpu.memref_slice %arg7[%dma_wait3A_79, %dma_wait3A_80] : memref<128x128xf32, #tpu.memory_space<vmem>> -> memref<120x128xf32, #tpu.memory_space<vmem>>
        tpu.wait_dma2 semaphore(%run_scoped3A : memref<!tpu.dma_semaphore, #tpu.memory_space<semaphore_mem>>) src(%dma_wait3A_81 : memref<120x128xf32, #tpu.memory_space<vmem>>) dst(%dma_wait3A_78 : memref<120x128xf32, #tpu.memory_space<vmem_shared>>)
        tpu.yield
      }) : () -> ()
    } else {
    }
    %eq3A_25 = arith.constant 15 : i32
    %eq3A_26 = arith.cmpi eq, %arg1, %eq3A_25 : i32
    %convert_element_type3A_27 = arith.extui %eq3A_26 : i1 to i32
    %cond3A_28 = arith.constant 0 : i32
    %cond3A_29 = arith.cmpi ne, %convert_element_type3A_27, %cond3A_28 : i32
    scf.if %cond3A_29 {
      "tpu.region"() ({
        %run_scoped3A = tpu.sem_alloc : memref<!tpu.dma_semaphore, #tpu.memory_space<semaphore_mem>>
        %dma_start3A = arith.constant 0 : i32
        %dma_start3A_60 = arith.constant 0 : i32
        %dma_start3A_61 = tpu.memref_slice %arg7[%dma_start3A, %dma_start3A_60] : memref<128x128xf32, #tpu.memory_space<vmem>> -> memref<16x128xf32, #tpu.memory_space<vmem>>
        %dma_start3A_62 = arith.constant 9992 : i32
        %dma_start3A_63 = arith.constant 0 : i32
        %dma_start3A_64 = tpu.memref_slice %arg8[%dma_start3A_62, %dma_start3A_63] : memref<10008x128xf32, #tpu.memory_space<vmem_shared>> -> memref<16x128xf32, #tpu.memory_space<vmem_shared>>
        %dma_start3A_65 = arith.constant 9992 : i32
        %dma_start3A_66 = arith.constant 0 : i32
        %dma_start3A_67 = tpu.memref_slice %arg8[%dma_start3A_65, %dma_start3A_66] : memref<10008x128xf32, #tpu.memory_space<vmem_shared>> -> memref<16x128xf32, #tpu.memory_space<vmem_shared>>
        %dma_start3A_68 = arith.constant 0 : i32
        %dma_start3A_69 = arith.constant 0 : i32
        %dma_start3A_70 = tpu.memref_slice %arg7[%dma_start3A_68, %dma_start3A_69] : memref<128x128xf32, #tpu.memory_space<vmem>> -> memref<16x128xf32, #tpu.memory_space<vmem>>
        tpu.enqueue_dma source(%dma_start3A_70 : memref<16x128xf32, #tpu.memory_space<vmem>>) target(%dma_start3A_67 : memref<16x128xf32, #tpu.memory_space<vmem_shared>>) target_semaphore(%run_scoped3A : memref<!tpu.dma_semaphore, #tpu.memory_space<semaphore_mem>>)
        %dma_wait3A = arith.constant 0 : i32
        %dma_wait3A_71 = arith.constant 0 : i32
        %dma_wait3A_72 = tpu.memref_slice %arg7[%dma_wait3A, %dma_wait3A_71] : memref<128x128xf32, #tpu.memory_space<vmem>> -> memref<16x128xf32, #tpu.memory_space<vmem>>
        %dma_wait3A_73 = arith.constant 9992 : i32
        %dma_wait3A_74 = arith.constant 0 : i32
        %dma_wait3A_75 = tpu.memref_slice %arg8[%dma_wait3A_73, %dma_wait3A_74] : memref<10008x128xf32, #tpu.memory_space<vmem_shared>> -> memref<16x128xf32, #tpu.memory_space<vmem_shared>>
        %dma_wait3A_76 = arith.constant 9992 : i32
        %dma_wait3A_77 = arith.constant 0 : i32
        %dma_wait3A_78 = tpu.memref_slice %arg8[%dma_wait3A_76, %dma_wait3A_77] : memref<10008x128xf32, #tpu.memory_space<vmem_shared>> -> memref<16x128xf32, #tpu.memory_space<vmem_shared>>
        %dma_wait3A_79 = arith.constant 0 : i32
        %dma_wait3A_80 = arith.constant 0 : i32
        %dma_wait3A_81 = tpu.memref_slice %arg7[%dma_wait3A_79, %dma_wait3A_80] : memref<128x128xf32, #tpu.memory_space<vmem>> -> memref<16x128xf32, #tpu.memory_space<vmem>>
        tpu.wait_dma2 semaphore(%run_scoped3A : memref<!tpu.dma_semaphore, #tpu.memory_space<semaphore_mem>>) src(%dma_wait3A_81 : memref<16x128xf32, #tpu.memory_space<vmem>>) dst(%dma_wait3A_78 : memref<16x128xf32, #tpu.memory_space<vmem_shared>>)
        tpu.yield
      }) : () -> ()
    } else {
    }
    %mul3A_30 = arith.constant 128 : i32
    %mul3A_31 = arith.muli %select_n3A_6, %mul3A_30 : i32
    %min3A = arith.constant 311040 : i32
    %min3A_32 = arith.minsi %mul3A_31, %min3A : i32
    %mul3A_33 = arith.constant 128 : i32
    %mul3A_34 = arith.muli %select_n3A_6, %mul3A_33 : i32
    %sub3A = arith.subi %mul3A_34, %min3A_32 : i32
    "tpu.region"() ({
      %run_scoped3A = tpu.sem_alloc : memref<!tpu.dma_semaphore, #tpu.memory_space<semaphore_mem>>
      %dma_start3A = tpu.memref_slice %arg3[%min3A_32] : memref<327680xi32, #tpu.memory_space<hbm>> -> memref<16640xi32, #tpu.memory_space<hbm>>
      %dma_start3A_60 = tpu.memref_slice %arg3[%min3A_32] : memref<327680xi32, #tpu.memory_space<hbm>> -> memref<16640xi32, #tpu.memory_space<hbm>>
      tpu.enqueue_dma source(%dma_start3A_60 : memref<16640xi32, #tpu.memory_space<hbm>>) target(%arg5 : memref<16640xi32, #tpu.memory_space<vmem>>) target_semaphore(%run_scoped3A : memref<!tpu.dma_semaphore, #tpu.memory_space<semaphore_mem>>)
      %dma_wait3A = tpu.memref_slice %arg3[%min3A_32] : memref<327680xi32, #tpu.memory_space<hbm>> -> memref<16640xi32, #tpu.memory_space<hbm>>
      %dma_wait3A_61 = tpu.memref_slice %arg3[%min3A_32] : memref<327680xi32, #tpu.memory_space<hbm>> -> memref<16640xi32, #tpu.memory_space<hbm>>
      tpu.wait_dma2 semaphore(%run_scoped3A : memref<!tpu.dma_semaphore, #tpu.memory_space<semaphore_mem>>) src(%dma_wait3A_61 : memref<16640xi32, #tpu.memory_space<hbm>>) dst(%arg5 : memref<16640xi32, #tpu.memory_space<vmem>>)
      tpu.yield
    }) : () -> ()
    %scan3A = arith.constant 0 : i32
    %scan3A_35 = arith.constant 0 : i32
    %scan3A_36 = arith.constant 1040 : i32
    %scan3A_37 = arith.addi %scan3A_35, %scan3A_36 : i32
    %scan3A_38 = arith.constant 1 : i32
    scf.for %scan3A_60 = %scan3A_35 to %scan3A_37 step %scan3A_38  : i32 {
      %mul3A_61 = arith.constant 16 : i32
      %mul3A_62 = arith.muli %scan3A_60, %mul3A_61 : i32
      %get3A = arith.index_cast %mul3A_62 : i32 to index
      %get3A_63 = tpu.vector_load %arg5[%get3A] {strides = array<i32>} : memref<16640xi32, #tpu.memory_space<vmem>>, vector<16xi32>,
      %get3A_64 = vector.shape_cast %get3A_63 : vector<16xi32> to vector<16xi32>
      %and3A = arith.constant 65535 : i32
      %and3A_65 = vector.broadcast %and3A : i32 to vector<16xi32>
      %and3A_66 = arith.andi %get3A_64, %and3A_65 : vector<16xi32>
      %mul3A_67 = arith.constant 16 : i32
      %mul3A_68 = arith.muli %scan3A_60, %mul3A_67 : i32
      %swap3A = arith.index_cast %mul3A_68 : i32 to index
      %swap3A_69 = tpu.vector_load %arg5[%swap3A] {strides = array<i32>} : memref<16640xi32, #tpu.memory_space<vmem>>, vector<16xi32>,
      %swap3A_70 = vector.shape_cast %swap3A_69 : vector<16xi32> to vector<16xi32>
      %swap3A_71 = vector.shape_cast %and3A_66 : vector<16xi32> to vector<16xi32>
      tpu.vector_store %arg5[%swap3A], %swap3A_71 {strides = array<i32>} : memref<16640xi32, #tpu.memory_space<vmem>>, vector<16xi32>,
      %shift_right_arithmetic3A = arith.constant 16 : i32
      %shift_right_arithmetic3A_72 = vector.broadcast %shift_right_arithmetic3A : i32 to vector<16xi32>
      %shift_right_arithmetic3A_73 = arith.shrsi %get3A_64, %shift_right_arithmetic3A_72 : vector<16xi32>
      %mul3A_74 = arith.constant 16 : i32
      %mul3A_75 = arith.muli %scan3A_60, %mul3A_74 : i32
      %swap3A_76 = arith.index_cast %mul3A_75 : i32 to index
      %swap3A_77 = tpu.vector_load %arg6[%swap3A_76] {strides = array<i32>} : memref<16640xi32, #tpu.memory_space<vmem>>, vector<16xi32>,
      %swap3A_78 = vector.shape_cast %swap3A_77 : vector<16xi32> to vector<16xi32>
      %swap3A_79 = vector.shape_cast %shift_right_arithmetic3A_73 : vector<16xi32> to vector<16xi32>
      tpu.vector_store %arg6[%swap3A_76], %swap3A_79 {strides = array<i32>} : memref<16640xi32, #tpu.memory_space<vmem>>, vector<16xi32>,
    }
    %scan3A_39 = arith.constant 1040 : i32
    %barrier3A = arith.constant 0 : index
    tpu.barrier barrier_id(%barrier3A)
    %while3A = arith.constant 0 : i32
    %while3A_40 = arith.constant 0 : i32
    %while3A_41 = arith.subi %select_n3A, %while3A_40 : i32
    %while3A_42 = arith.addi %while3A_40, %while3A_41 : i32
    %while3A_43 = arith.constant 1 : i32
    %while3A_44 = arith.divsi %while3A_41, %while3A_43 : i32
    %while3A_45 = arith.muli %while3A_44, %while3A_43 : i32
    %while3A_46 = arith.addi %while3A_40, %while3A_45 : i32
    %while3A_47 = arith.constant 1 : i32
    scf.for %while3A_60 = %while3A_40 to %while3A_46 step %while3A_47  : i32 {
      %mul3A_61 = arith.constant 128 : i32
      %mul3A_62 = arith.muli %while3A_60, %mul3A_61 : i32
      %add3A_63 = arith.addi %sub3A, %mul3A_62 : i32
      %dma_start3A = tpu.memref_slice %arg5[%add3A_63] : memref<16640xi32, #tpu.memory_space<vmem>> -> memref<128xi32, #tpu.memory_space<vmem>>
      %dma_start3A_64 = arith.constant 0 : i32
      %dma_start3A_65 = arith.constant 0 : i32
      %dma_start3A_66 = tpu.memref_slice %arg2[%dma_start3A_64, %dma_start3A_65] : memref<10240x128xf32, #tpu.memory_space<hbm>> -> memref<10240x128xf32, #tpu.memory_space<hbm>>
      tpu.enqueue_indirect_dma source(%dma_start3A_66 : memref<10240x128xf32, #tpu.memory_space<hbm>>) target(%arg7 : memref<128x128xf32, #tpu.memory_space<vmem>>) offsets(%dma_start3A : memref<128xi32, #tpu.memory_space<vmem>>) semaphore(%arg9 : memref<!tpu.dma_semaphore, #tpu.memory_space<semaphore_mem>>)
      %dma_wait3A = tpu.memref_slice %arg5[%add3A_63] : memref<16640xi32, #tpu.memory_space<vmem>> -> memref<128xi32, #tpu.memory_space<vmem>>
      %dma_wait3A_67 = arith.constant 0 : i32
      %dma_wait3A_68 = arith.constant 0 : i32
      %dma_wait3A_69 = tpu.memref_slice %arg2[%dma_wait3A_67, %dma_wait3A_68] : memref<10240x128xf32, #tpu.memory_space<hbm>> -> memref<10240x128xf32, #tpu.memory_space<hbm>>
      tpu.wait_indirect_dma semaphore(%arg9 : memref<!tpu.dma_semaphore, #tpu.memory_space<semaphore_mem>>) src(%dma_wait3A_69 : memref<10240x128xf32, #tpu.memory_space<hbm>>) dst(%arg7 : memref<128x128xf32, #tpu.memory_space<vmem>>)
      "tpu.region"() ({
        %run_scoped3A = tpu.sem_alloc : memref<!tpu.dma_semaphore, #tpu.memory_space<semaphore_mem>>
        %dma_start3A_70 = tpu.memref_slice %arg6[%add3A_63] : memref<16640xi32, #tpu.memory_space<vmem>> -> memref<128xi32, #tpu.memory_space<vmem>>
        %dma_start3A_71 = arith.constant 0 : i32
        %dma_start3A_72 = arith.constant 0 : i32
        %dma_start3A_73 = tpu.memref_slice %arg8[%dma_start3A_71, %dma_start3A_72] : memref<10008x128xf32, #tpu.memory_space<vmem_shared>> -> memref<10008x128xf32, #tpu.memory_space<vmem_shared>>
        tpu.enqueue_indirect_dma source(%arg7 : memref<128x128xf32, #tpu.memory_space<vmem>>) target(%dma_start3A_73 : memref<10008x128xf32, #tpu.memory_space<vmem_shared>>) offsets(%dma_start3A_70 : memref<128xi32, #tpu.memory_space<vmem>>) semaphore(%run_scoped3A : memref<!tpu.dma_semaphore, #tpu.memory_space<semaphore_mem>>) {add = true}
        %dma_wait3A_74 = tpu.memref_slice %arg6[%add3A_63] : memref<16640xi32, #tpu.memory_space<vmem>> -> memref<128xi32, #tpu.memory_space<vmem>>
        %dma_wait3A_75 = arith.constant 0 : i32
        %dma_wait3A_76 = arith.constant 0 : i32
        %dma_wait3A_77 = tpu.memref_slice %arg8[%dma_wait3A_75, %dma_wait3A_76] : memref<10008x128xf32, #tpu.memory_space<vmem_shared>> -> memref<10008x128xf32, #tpu.memory_space<vmem_shared>>
        tpu.wait_indirect_dma semaphore(%run_scoped3A : memref<!tpu.dma_semaphore, #tpu.memory_space<semaphore_mem>>) src(%arg7 : memref<128x128xf32, #tpu.memory_space<vmem>>) dst(%dma_wait3A_77 : memref<10008x128xf32, #tpu.memory_space<vmem_shared>>)
        tpu.yield
      }) : () -> ()
    }
    %while3A_48 = arith.constant 1 : i32
    scf.for %while3A_60 = %while3A_46 to %while3A_42 step %while3A_48  : i32 {
      %mul3A_61 = arith.constant 128 : i32
      %mul3A_62 = arith.muli %while3A_60, %mul3A_61 : i32
      %add3A_63 = arith.addi %sub3A, %mul3A_62 : i32
      %dma_start3A = tpu.memref_slice %arg5[%add3A_63] : memref<16640xi32, #tpu.memory_space<vmem>> -> memref<128xi32, #tpu.memory_space<vmem>>
      %dma_start3A_64 = arith.constant 0 : i32
      %dma_start3A_65 = arith.constant 0 : i32
      %dma_start3A_66 = tpu.memref_slice %arg2[%dma_start3A_64, %dma_start3A_65] : memref<10240x128xf32, #tpu.memory_space<hbm>> -> memref<10240x128xf32, #tpu.memory_space<hbm>>
      tpu.enqueue_indirect_dma source(%dma_start3A_66 : memref<10240x128xf32, #tpu.memory_space<hbm>>) target(%arg7 : memref<128x128xf32, #tpu.memory_space<vmem>>) offsets(%dma_start3A : memref<128xi32, #tpu.memory_space<vmem>>) semaphore(%arg9 : memref<!tpu.dma_semaphore, #tpu.memory_space<semaphore_mem>>)
      %dma_wait3A = tpu.memref_slice %arg5[%add3A_63] : memref<16640xi32, #tpu.memory_space<vmem>> -> memref<128xi32, #tpu.memory_space<vmem>>
      %dma_wait3A_67 = arith.constant 0 : i32
      %dma_wait3A_68 = arith.constant 0 : i32
      %dma_wait3A_69 = tpu.memref_slice %arg2[%dma_wait3A_67, %dma_wait3A_68] : memref<10240x128xf32, #tpu.memory_space<hbm>> -> memref<10240x128xf32, #tpu.memory_space<hbm>>
      tpu.wait_indirect_dma semaphore(%arg9 : memref<!tpu.dma_semaphore, #tpu.memory_space<semaphore_mem>>) src(%dma_wait3A_69 : memref<10240x128xf32, #tpu.memory_space<hbm>>) dst(%arg7 : memref<128x128xf32, #tpu.memory_space<vmem>>)
      "tpu.region"() ({
        %run_scoped3A = tpu.sem_alloc : memref<!tpu.dma_semaphore, #tpu.memory_space<semaphore_mem>>
        %dma_start3A_70 = tpu.memref_slice %arg6[%add3A_63] : memref<16640xi32, #tpu.memory_space<vmem>> -> memref<128xi32, #tpu.memory_space<vmem>>
        %dma_start3A_71 = arith.constant 0 : i32
        %dma_start3A_72 = arith.constant 0 : i32
        %dma_start3A_73 = tpu.memref_slice %arg8[%dma_start3A_71, %dma_start3A_72] : memref<10008x128xf32, #tpu.memory_space<vmem_shared>> -> memref<10008x128xf32, #tpu.memory_space<vmem_shared>>
        tpu.enqueue_indirect_dma source(%arg7 : memref<128x128xf32, #tpu.memory_space<vmem>>) target(%dma_start3A_73 : memref<10008x128xf32, #tpu.memory_space<vmem_shared>>) offsets(%dma_start3A_70 : memref<128xi32, #tpu.memory_space<vmem>>) semaphore(%run_scoped3A : memref<!tpu.dma_semaphore, #tpu.memory_space<semaphore_mem>>) {add = true}
        %dma_wait3A_74 = tpu.memref_slice %arg6[%add3A_63] : memref<16640xi32, #tpu.memory_space<vmem>> -> memref<128xi32, #tpu.memory_space<vmem>>
        %dma_wait3A_75 = arith.constant 0 : i32
        %dma_wait3A_76 = arith.constant 0 : i32
        %dma_wait3A_77 = tpu.memref_slice %arg8[%dma_wait3A_75, %dma_wait3A_76] : memref<10008x128xf32, #tpu.memory_space<vmem_shared>> -> memref<10008x128xf32, #tpu.memory_space<vmem_shared>>
        tpu.wait_indirect_dma semaphore(%run_scoped3A : memref<!tpu.dma_semaphore, #tpu.memory_space<semaphore_mem>>) src(%arg7 : memref<128x128xf32, #tpu.memory_space<vmem>>) dst(%dma_wait3A_77 : memref<10008x128xf32, #tpu.memory_space<vmem_shared>>)
        tpu.yield
      }) : () -> ()
    }
    %barrier3A_49 = arith.constant 0 : index
    tpu.barrier barrier_id(%barrier3A_49)
    %lt3A_50 = arith.constant 15 : i32
    %lt3A_51 = arith.cmpi slt, %arg1, %lt3A_50 : i32
    %convert_element_type3A_52 = arith.extui %lt3A_51 : i1 to i32
    %cond3A_53 = arith.constant 0 : i32
    %cond3A_54 = arith.cmpi ne, %convert_element_type3A_52, %cond3A_53 : i32
    scf.if %cond3A_54 {
      %mul3A_60 = arith.constant 632 : i32
      %mul3A_61 = arith.muli %arg1, %mul3A_60 : i32
      %mul3A_62 = arith.constant 632 : i32
      %mul3A_63 = arith.muli %arg1, %mul3A_62 : i32
      "tpu.region"() ({
        %run_scoped3A = tpu.sem_alloc : memref<!tpu.dma_semaphore, #tpu.memory_space<semaphore_mem>>
        %dma_start3A = arith.constant 0 : i32
        %dma_start3A_64 = tpu.memref_slice %arg4[%arg0, %mul3A_63, %dma_start3A] : memref<2x10240x128xf32, #tpu.memory_space<hbm>> -> memref<1x632x128xf32, #tpu.memory_space<hbm>>
        %dma_start3A_65 = tpu.memref_squeeze %dma_start3A_64 : memref<1x632x128xf32, #tpu.memory_space<hbm>> -> memref<632x128xf32, #tpu.memory_space<hbm>>
        %dma_start3A_66 = arith.constant 0 : i32
        %dma_start3A_67 = tpu.memref_slice %arg8[%mul3A_61, %dma_start3A_66] : memref<10008x128xf32, #tpu.memory_space<vmem_shared>> -> memref<632x128xf32, #tpu.memory_space<vmem_shared>>
        tpu.enqueue_dma source(%dma_start3A_67 : memref<632x128xf32, #tpu.memory_space<vmem_shared>>) target(%dma_start3A_65 : memref<632x128xf32, #tpu.memory_space<hbm>>) target_semaphore(%run_scoped3A : memref<!tpu.dma_semaphore, #tpu.memory_space<semaphore_mem>>)
        %dma_wait3A = arith.constant 0 : i32
        %dma_wait3A_68 = tpu.memref_slice %arg4[%arg0, %mul3A_63, %dma_wait3A] : memref<2x10240x128xf32, #tpu.memory_space<hbm>> -> memref<1x632x128xf32, #tpu.memory_space<hbm>>
        %dma_wait3A_69 = tpu.memref_squeeze %dma_wait3A_68 : memref<1x632x128xf32, #tpu.memory_space<hbm>> -> memref<632x128xf32, #tpu.memory_space<hbm>>
        %dma_wait3A_70 = arith.constant 0 : i32
        %dma_wait3A_71 = tpu.memref_slice %arg8[%mul3A_61, %dma_wait3A_70] : memref<10008x128xf32, #tpu.memory_space<vmem_shared>> -> memref<632x128xf32, #tpu.memory_space<vmem_shared>>
        tpu.wait_dma2 semaphore(%run_scoped3A : memref<!tpu.dma_semaphore, #tpu.memory_space<semaphore_mem>>) src(%dma_wait3A_71 : memref<632x128xf32, #tpu.memory_space<vmem_shared>>) dst(%dma_wait3A_69 : memref<632x128xf32, #tpu.memory_space<hbm>>)
        tpu.yield
      }) : () -> ()
    } else {
    }
    %eq3A_55 = arith.constant 15 : i32
    %eq3A_56 = arith.cmpi eq, %arg1, %eq3A_55 : i32
    %convert_element_type3A_57 = arith.extui %eq3A_56 : i1 to i32
    %cond3A_58 = arith.constant 0 : i32
    %cond3A_59 = arith.cmpi ne, %convert_element_type3A_57, %cond3A_58 : i32
    scf.if %cond3A_59 {
      "tpu.region"() ({
        %run_scoped3A = tpu.sem_alloc : memref<!tpu.dma_semaphore, #tpu.memory_space<semaphore_mem>>
        %dma_start3A = arith.constant 9480 : i32
        %dma_start3A_60 = arith.constant 0 : i32
        %dma_start3A_61 = tpu.memref_slice %arg4[%arg0, %dma_start3A, %dma_start3A_60] : memref<2x10240x128xf32, #tpu.memory_space<hbm>> -> memref<1x528x128xf32, #tpu.memory_space<hbm>>
        %dma_start3A_62 = tpu.memref_squeeze %dma_start3A_61 : memref<1x528x128xf32, #tpu.memory_space<hbm>> -> memref<528x128xf32, #tpu.memory_space<hbm>>
        %dma_start3A_63 = arith.constant 9480 : i32
        %dma_start3A_64 = arith.constant 0 : i32
        %dma_start3A_65 = tpu.memref_slice %arg8[%dma_start3A_63, %dma_start3A_64] : memref<10008x128xf32, #tpu.memory_space<vmem_shared>> -> memref<528x128xf32, #tpu.memory_space<vmem_shared>>
        tpu.enqueue_dma source(%dma_start3A_65 : memref<528x128xf32, #tpu.memory_space<vmem_shared>>) target(%dma_start3A_62 : memref<528x128xf32, #tpu.memory_space<hbm>>) target_semaphore(%run_scoped3A : memref<!tpu.dma_semaphore, #tpu.memory_space<semaphore_mem>>)
        %dma_wait3A = arith.constant 9480 : i32
        %dma_wait3A_66 = arith.constant 0 : i32
        %dma_wait3A_67 = tpu.memref_slice %arg4[%arg0, %dma_wait3A, %dma_wait3A_66] : memref<2x10240x128xf32, #tpu.memory_space<hbm>> -> memref<1x528x128xf32, #tpu.memory_space<hbm>>
        %dma_wait3A_68 = tpu.memref_squeeze %dma_wait3A_67 : memref<1x528x128xf32, #tpu.memory_space<hbm>> -> memref<528x128xf32, #tpu.memory_space<hbm>>
        %dma_wait3A_69 = arith.constant 9480 : i32
        %dma_wait3A_70 = arith.constant 0 : i32
        %dma_wait3A_71 = tpu.memref_slice %arg8[%dma_wait3A_69, %dma_wait3A_70] : memref<10008x128xf32, #tpu.memory_space<vmem_shared>> -> memref<528x128xf32, #tpu.memory_space<vmem_shared>>
        tpu.wait_dma2 semaphore(%run_scoped3A : memref<!tpu.dma_semaphore, #tpu.memory_space<semaphore_mem>>) src(%dma_wait3A_71 : memref<528x128xf32, #tpu.memory_space<vmem_shared>>) dst(%dma_wait3A_68 : memref<528x128xf32, #tpu.memory_space<hbm>>)
        tpu.yield
      }) : () -> ()
    } else {
    }
    return
  }
}

module attributes {stable_mosaic.version = 14 : i64} {
  func.func @_mm_body(%arg0: i32, %arg1: memref<1024x128xf32, #tpu.memory_space<vmem>>, %arg2: memref<128x128xf32, #tpu.memory_space<vmem>>, %arg3: memref<1024x1xf32, #tpu.memory_space<vmem>>, %arg4: memref<1024x128xf32, #tpu.memory_space<vmem>>) attributes {dimension_semantics = [#tpu.dimension_semantics<arbitrary>], iteration_bounds = array<i64: 10>, scalar_prefetch = 0 : i64, scratch_operands = 0 : i64, tpu.core_type = #tpu.core_type<tc>, window_params = [{transform_indices = @transform_0, window_bounds = array<i64: 1024, 128>}, {pipeline_mode = #tpu.pipeline_mode<synchronous>, transform_indices = @transform_1, window_bounds = array<i64: 128, 128>}, {transform_indices = @transform_2, window_bounds = array<i64: 1024, 1>}, {transform_indices = @transform_3, window_bounds = array<i64: 1024, 128>}]} {
    %get3A = arith.constant 0 : index
    %get3A_0 = arith.constant 0 : index
    %get3A_1 = vector.load %arg1[%get3A, %get3A_0] : memref<1024x128xf32, #tpu.memory_space<vmem>>, vector<1024x128xf32>
    %get3A_2 = arith.constant 0 : index
    %get3A_3 = arith.constant 0 : index
    %get3A_4 = vector.load %arg2[%get3A_2, %get3A_3] : memref<128x128xf32, #tpu.memory_space<vmem>>, vector<128x128xf32>
    %dot_general3A = arith.constant dense<0.000000e+00> : vector<1024x128xf32>
    %dot_general3A_5 = tpu.matmul %get3A_1, %get3A_4, %dot_general3A {dimension_numbers = #tpu.dot_dimension_numbers<[1], [0], [0], [1], [0, 0, 1, 1], [], []>, transpose_lhs_hint = false} : vector<1024x128xf32>, vector<128x128xf32>, vector<1024x128xf32> -> vector<1024x128xf32>
    %get3A_6 = arith.constant 0 : index
    %get3A_7 = arith.constant 0 : index
    %get3A_8 = vector.load %arg3[%get3A_6, %get3A_7] : memref<1024x1xf32, #tpu.memory_space<vmem>>, vector<1024x1xf32>
    %mul3A = vector.broadcast %get3A_8 : vector<1024x1xf32> to vector<1024x128xf32>
    %mul3A_9 = arith.mulf %dot_general3A_5, %mul3A : vector<1024x128xf32>
    %swap3A = arith.constant 0 : index
    %swap3A_10 = arith.constant 0 : index
    %swap3A_11 = vector.load %arg4[%swap3A, %swap3A_10] : memref<1024x128xf32, #tpu.memory_space<vmem>>, vector<1024x128xf32>
    tpu.vector_store %arg4[%swap3A, %swap3A_10], %mul3A_9 {strides = array<i32>} : memref<1024x128xf32, #tpu.memory_space<vmem>>, vector<1024x128xf32>,
    return
  }
  func.func @transform_0(%arg0: i32) -> (i32, i32) {
    %c0_i32 = arith.constant 0 : i32
    %c0_i32_0 = arith.constant 0 : i32
    return %arg0, %c0_i32 : i32, i32
  }
  func.func @transform_1(%arg0: i32) -> (i32, i32) {
    %c0_i32 = arith.constant 0 : i32
    %c0_i32_0 = arith.constant 0 : i32
    %c0_i32_1 = arith.constant 0 : i32
    return %c0_i32, %c0_i32_0 : i32, i32
  }
  func.func @transform_2(%arg0: i32) -> (i32, i32) {
    %c0_i32 = arith.constant 0 : i32
    %c0_i32_0 = arith.constant 0 : i32
    return %arg0, %c0_i32 : i32, i32
  }
  func.func @transform_3(%arg0: i32) -> (i32, i32) {
    %c0_i32 = arith.constant 0 : i32
    %c0_i32_0 = arith.constant 0 : i32
    return %arg0, %c0_i32 : i32, i32
  }
}

module attributes {stable_mosaic.version = 14 : i64} {
  func.func @_comb_body(%arg0: i32, %arg1: memref<1024x128xf32, #tpu.memory_space<vmem>>, %arg2: memref<1024x128xf32, #tpu.memory_space<vmem>>, %arg3: memref<1024x1xf32, #tpu.memory_space<vmem>>, %arg4: memref<1x128xf32, #tpu.memory_space<vmem>>, %arg5: memref<1024x128xf32, #tpu.memory_space<vmem>>, %arg6: memref<8x128xf32, #tpu.memory_space<vmem>>) attributes {dimension_semantics = [#tpu.dimension_semantics<arbitrary>], iteration_bounds = array<i64: 10>, scalar_prefetch = 0 : i64, scratch_operands = 0 : i64, tpu.core_type = #tpu.core_type<tc>, window_params = [{transform_indices = @transform_0, window_bounds = array<i64: 1024, 128>}, {transform_indices = @transform_1, window_bounds = array<i64: 1024, 128>}, {transform_indices = @transform_2, window_bounds = array<i64: 1024, 1>}, {pipeline_mode = #tpu.pipeline_mode<synchronous>, transform_indices = @transform_3, window_bounds = array<i64: 1, 128>}, {transform_indices = @transform_4, window_bounds = array<i64: 1024, 128>}, {pipeline_mode = #tpu.pipeline_mode<synchronous>, transform_indices = @transform_5, window_bounds = array<i64: 8, 128>}]} {
    %get3A = arith.constant 0 : index
    %get3A_0 = arith.constant 0 : index
    %get3A_1 = vector.load %arg1[%get3A, %get3A_0] : memref<1024x128xf32, #tpu.memory_space<vmem>>, vector<1024x128xf32>
    %get3A_2 = arith.constant 0 : index
    %get3A_3 = arith.constant 0 : index
    %get3A_4 = vector.load %arg2[%get3A_2, %get3A_3] : memref<1024x128xf32, #tpu.memory_space<vmem>>, vector<1024x128xf32>
    %add3A = arith.addf %get3A_1, %get3A_4 : vector<1024x128xf32>
    %get3A_5 = arith.constant 0 : index
    %get3A_6 = arith.constant 0 : index
    %get3A_7 = vector.load %arg3[%get3A_5, %get3A_6] : memref<1024x1xf32, #tpu.memory_space<vmem>>, vector<1024x1xf32>
    %mul3A = vector.broadcast %get3A_7 : vector<1024x1xf32> to vector<1024x128xf32>
    %mul3A_8 = arith.mulf %add3A, %mul3A : vector<1024x128xf32>
    %get3A_9 = arith.constant 0 : index
    %get3A_10 = arith.constant 0 : index
    %get3A_11 = vector.load %arg4[%get3A_9, %get3A_10] : memref<1x128xf32, #tpu.memory_space<vmem>>, vector<1x128xf32>
    %add3A_12 = vector.broadcast %get3A_11 : vector<1x128xf32> to vector<1024x128xf32>
    %add3A_13 = arith.addf %mul3A_8, %add3A_12 : vector<1024x128xf32>
    %swap3A = arith.constant 0 : index
    %swap3A_14 = arith.constant 0 : index
    %swap3A_15 = vector.load %arg5[%swap3A, %swap3A_14] : memref<1024x128xf32, #tpu.memory_space<vmem>>, vector<1024x128xf32>
    tpu.vector_store %arg5[%swap3A, %swap3A_14], %add3A_13 {strides = array<i32>} : memref<1024x128xf32, #tpu.memory_space<vmem>>, vector<1024x128xf32>,
    %iota3A = tpu.iota {dimensions = array<i32: 0>} : vector<1024x128xi32>
    %mul3A_16 = arith.constant 1024 : i32
    %mul3A_17 = arith.muli %arg0, %mul3A_16 : i32
    %add3A_18 = vector.broadcast %mul3A_17 : i32 to vector<1024x128xi32>
    %add3A_19 = arith.addi %iota3A, %add3A_18 : vector<1024x128xi32>
    %lt3A = arith.constant 10000 : i32
    %lt3A_20 = vector.broadcast %lt3A : i32 to vector<1024x128xi32>
    %lt3A_21 = arith.cmpi slt, %add3A_19, %lt3A_20 : vector<1024x128xi32>
    %jit3A = arith.constant 0.000000e+00 : f32
    %broadcast_in_dim3A = vector.broadcast %jit3A : f32 to vector<1024x128xf32>
    %select_n3A = arith.select %lt3A_21, %add3A_13, %broadcast_in_dim3A : vector<1024x128xi1>, vector<1024x128xf32>
    %reduce_sum3A = arith.constant dense<0.000000e+00> : vector<128xf32>
    %reduce_sum3A_22 = vector.multi_reduction <add>, %select_n3A, %reduce_sum3A [0] : vector<1024x128xf32> to vector<128xf32>
    %broadcast_in_dim3A_23 = vector.shape_cast %reduce_sum3A_22 : vector<128xf32> to vector<1x128xf32>
    %mul3A_24 = arith.mulf %select_n3A, %select_n3A : vector<1024x128xf32>
    %reduce_sum3A_25 = arith.constant dense<0.000000e+00> : vector<128xf32>
    %reduce_sum3A_26 = vector.multi_reduction <add>, %mul3A_24, %reduce_sum3A_25 [0] : vector<1024x128xf32> to vector<128xf32>
    %broadcast_in_dim3A_27 = vector.shape_cast %reduce_sum3A_26 : vector<128xf32> to vector<1x128xf32>
    %broadcast_in_dim3A_28 = arith.constant 0.000000e+00 : f32
    %broadcast_in_dim3A_29 = vector.broadcast %broadcast_in_dim3A_28 : f32 to vector<6x128xf32>
    %concatenate3A = tpu.concatenate %broadcast_in_dim3A_23, %broadcast_in_dim3A_27, %broadcast_in_dim3A_29 in 0 : vector<1x128xf32>, vector<1x128xf32>, vector<6x128xf32> -> vector<8x128xf32>
    %eq3A = arith.constant 0 : i32
    %eq3A_30 = arith.cmpi eq, %arg0, %eq3A : i32
    %convert_element_type3A = arith.extui %eq3A_30 : i1 to i32
    %cond3A = arith.constant 0 : i32
    %cond3A_31 = arith.cmpi ne, %convert_element_type3A, %cond3A : i32
    scf.if %cond3A_31 {
      %swap3A_36 = arith.constant 0 : index
      %swap3A_37 = arith.constant 0 : index
      %swap3A_38 = vector.load %arg6[%swap3A_36, %swap3A_37] : memref<8x128xf32, #tpu.memory_space<vmem>>, vector<8x128xf32>
      tpu.vector_store %arg6[%swap3A_36, %swap3A_37], %concatenate3A {strides = array<i32>} : memref<8x128xf32, #tpu.memory_space<vmem>>, vector<8x128xf32>,
    } else {
    }
    %gt3A = arith.constant 0 : i32
    %gt3A_32 = arith.cmpi sgt, %arg0, %gt3A : i32
    %convert_element_type3A_33 = arith.extui %gt3A_32 : i1 to i32
    %cond3A_34 = arith.constant 0 : i32
    %cond3A_35 = arith.cmpi ne, %convert_element_type3A_33, %cond3A_34 : i32
    scf.if %cond3A_35 {
      %get3A_36 = arith.constant 0 : index
      %get3A_37 = arith.constant 0 : index
      %get3A_38 = vector.load %arg6[%get3A_36, %get3A_37] : memref<8x128xf32, #tpu.memory_space<vmem>>, vector<8x128xf32>
      %add3A_39 = arith.addf %get3A_38, %concatenate3A : vector<8x128xf32>
      %swap3A_40 = arith.constant 0 : index
      %swap3A_41 = arith.constant 0 : index
      %swap3A_42 = vector.load %arg6[%swap3A_40, %swap3A_41] : memref<8x128xf32, #tpu.memory_space<vmem>>, vector<8x128xf32>
      tpu.vector_store %arg6[%swap3A_40, %swap3A_41], %add3A_39 {strides = array<i32>} : memref<8x128xf32, #tpu.memory_space<vmem>>, vector<8x128xf32>,
    } else {
    }
    return
  }
  func.func @transform_0(%arg0: i32) -> (i32, i32) {
    %c0_i32 = arith.constant 0 : i32
    %c0_i32_0 = arith.constant 0 : i32
    return %arg0, %c0_i32 : i32, i32
  }
  func.func @transform_1(%arg0: i32) -> (i32, i32) {
    %c0_i32 = arith.constant 0 : i32
    %c0_i32_0 = arith.constant 0 : i32
    return %arg0, %c0_i32 : i32, i32
  }
  func.func @transform_2(%arg0: i32) -> (i32, i32) {
    %c0_i32 = arith.constant 0 : i32
    %c0_i32_0 = arith.constant 0 : i32
    return %arg0, %c0_i32 : i32, i32
  }
  func.func @transform_3(%arg0: i32) -> (i32, i32) {
    %c0_i32 = arith.constant 0 : i32
    %c0_i32_0 = arith.constant 0 : i32
    %c0_i32_1 = arith.constant 0 : i32
    return %c0_i32, %c0_i32_0 : i32, i32
  }
  func.func @transform_4(%arg0: i32) -> (i32, i32) {
    %c0_i32 = arith.constant 0 : i32
    %c0_i32_0 = arith.constant 0 : i32
    return %arg0, %c0_i32 : i32, i32
  }
  func.func @transform_5(%arg0: i32) -> (i32, i32) {
    %c0_i32 = arith.constant 0 : i32
    %c0_i32_0 = arith.constant 0 : i32
    %c0_i32_1 = arith.constant 0 : i32
    return %c0_i32, %c0_i32_0 : i32, i32
  }
}

module attributes {stable_mosaic.version = 14 : i64} {
  func.func @_bn_body(%arg0: i32, %arg1: memref<1024x128xf32, #tpu.memory_space<vmem>>, %arg2: memref<8x128xf32, #tpu.memory_space<vmem>>, %arg3: memref<1x128xf32, #tpu.memory_space<vmem>>, %arg4: memref<1x128xf32, #tpu.memory_space<vmem>>, %arg5: memref<1024x128xf32, #tpu.memory_space<vmem>>, %arg6: memref<1024x128xf32, #tpu.memory_space<vmem>>) attributes {dimension_semantics = [#tpu.dimension_semantics<arbitrary>], iteration_bounds = array<i64: 10>, scalar_prefetch = 0 : i64, scratch_operands = 0 : i64, tpu.core_type = #tpu.core_type<tc>, window_params = [{transform_indices = @transform_0, window_bounds = array<i64: 1024, 128>}, {pipeline_mode = #tpu.pipeline_mode<synchronous>, transform_indices = @transform_1, window_bounds = array<i64: 8, 128>}, {pipeline_mode = #tpu.pipeline_mode<synchronous>, transform_indices = @transform_2, window_bounds = array<i64: 1, 128>}, {pipeline_mode = #tpu.pipeline_mode<synchronous>, transform_indices = @transform_3, window_bounds = array<i64: 1, 128>}, {transform_indices = @transform_4, window_bounds = array<i64: 1024, 128>}, {transform_indices = @transform_5, window_bounds = array<i64: 1024, 128>}]} {
    %get3A = arith.constant 0 : index
    %get3A_0 = arith.constant 0 : index
    %get3A_1 = vector.load %arg2[%get3A, %get3A_0] : memref<8x128xf32, #tpu.memory_space<vmem>>, vector<1x128xf32>
    %mul3A = arith.constant 9.99999974E-5 : f32
    %mul3A_2 = vector.broadcast %mul3A : f32 to vector<1x128xf32>
    %mul3A_3 = arith.mulf %get3A_1, %mul3A_2 : vector<1x128xf32>
    %get3A_4 = arith.constant 1 : index
    %get3A_5 = arith.constant 0 : index
    %get3A_6 = vector.load %arg2[%get3A_4, %get3A_5] : memref<8x128xf32, #tpu.memory_space<vmem>>, vector<1x128xf32>
    %mul3A_7 = arith.constant 9.99999974E-5 : f32
    %mul3A_8 = vector.broadcast %mul3A_7 : f32 to vector<1x128xf32>
    %mul3A_9 = arith.mulf %get3A_6, %mul3A_8 : vector<1x128xf32>
    %mul3A_10 = arith.mulf %mul3A_3, %mul3A_3 : vector<1x128xf32>
    %sub3A = arith.subf %mul3A_9, %mul3A_10 : vector<1x128xf32>
    %add3A = arith.constant 9.99999974E-6 : f32
    %add3A_11 = vector.broadcast %add3A : f32 to vector<1x128xf32>
    %add3A_12 = arith.addf %sub3A, %add3A_11 : vector<1x128xf32>
    %rsqrt3A = math.rsqrt %add3A_12 : vector<1x128xf32>
    %get3A_13 = arith.constant 0 : index
    %get3A_14 = arith.constant 0 : index
    %get3A_15 = vector.load %arg1[%get3A_13, %get3A_14] : memref<1024x128xf32, #tpu.memory_space<vmem>>, vector<1024x128xf32>
    %sub3A_16 = vector.broadcast %mul3A_3 : vector<1x128xf32> to vector<1024x128xf32>
    %sub3A_17 = arith.subf %get3A_15, %sub3A_16 : vector<1024x128xf32>
    %mul3A_18 = vector.broadcast %rsqrt3A : vector<1x128xf32> to vector<1024x128xf32>
    %mul3A_19 = arith.mulf %sub3A_17, %mul3A_18 : vector<1024x128xf32>
    %get3A_20 = arith.constant 0 : index
    %get3A_21 = arith.constant 0 : index
    %get3A_22 = vector.load %arg3[%get3A_20, %get3A_21] : memref<1x128xf32, #tpu.memory_space<vmem>>, vector<1x128xf32>
    %mul3A_23 = vector.broadcast %get3A_22 : vector<1x128xf32> to vector<1024x128xf32>
    %mul3A_24 = arith.mulf %mul3A_19, %mul3A_23 : vector<1024x128xf32>
    %get3A_25 = arith.constant 0 : index
    %get3A_26 = arith.constant 0 : index
    %get3A_27 = vector.load %arg4[%get3A_25, %get3A_26] : memref<1x128xf32, #tpu.memory_space<vmem>>, vector<1x128xf32>
    %add3A_28 = vector.broadcast %get3A_27 : vector<1x128xf32> to vector<1024x128xf32>
    %add3A_29 = arith.addf %mul3A_24, %add3A_28 : vector<1024x128xf32>
    %gt3A = arith.constant 0.000000e+00 : f32
    %gt3A_30 = vector.broadcast %gt3A : f32 to vector<1024x128xf32>
    %gt3A_31 = arith.cmpf ogt, %add3A_29, %gt3A_30 : vector<1024x128xf32>
    %min3A = arith.constant 0.000000e+00 : f32
    %min3A_32 = vector.broadcast %min3A : f32 to vector<1024x128xf32>
    %min3A_33 = arith.minimumf %add3A_29, %min3A_32 : vector<1024x128xf32>
    %exp3A = math.exp %min3A_33 : vector<1024x128xf32>
    %sub3A_34 = arith.constant 1.000000e+00 : f32
    %sub3A_35 = vector.broadcast %sub3A_34 : f32 to vector<1024x128xf32>
    %sub3A_36 = arith.subf %exp3A, %sub3A_35 : vector<1024x128xf32>
    %select_n3A = arith.select %gt3A_31, %add3A_29, %sub3A_36 : vector<1024x128xi1>, vector<1024x128xf32>
    %get3A_37 = arith.constant 0 : index
    %get3A_38 = arith.constant 0 : index
    %get3A_39 = vector.load %arg5[%get3A_37, %get3A_38] : memref<1024x128xf32, #tpu.memory_space<vmem>>, vector<1024x128xf32>
    %add3A_40 = arith.addf %get3A_39, %select_n3A : vector<1024x128xf32>
    %swap3A = arith.constant 0 : index
    %swap3A_41 = arith.constant 0 : index
    %swap3A_42 = vector.load %arg6[%swap3A, %swap3A_41] : memref<1024x128xf32, #tpu.memory_space<vmem>>, vector<1024x128xf32>
    tpu.vector_store %arg6[%swap3A, %swap3A_41], %add3A_40 {strides = array<i32>} : memref<1024x128xf32, #tpu.memory_space<vmem>>, vector<1024x128xf32>,
    return
  }
  func.func @transform_0(%arg0: i32) -> (i32, i32) {
    %c0_i32 = arith.constant 0 : i32
    %c0_i32_0 = arith.constant 0 : i32
    return %arg0, %c0_i32 : i32, i32
  }
  func.func @transform_1(%arg0: i32) -> (i32, i32) {
    %c0_i32 = arith.constant 0 : i32
    %c0_i32_0 = arith.constant 0 : i32
    %c0_i32_1 = arith.constant 0 : i32
    return %c0_i32, %c0_i32_0 : i32, i32
  }
  func.func @transform_2(%arg0: i32) -> (i32, i32) {
    %c0_i32 = arith.constant 0 : i32
    %c0_i32_0 = arith.constant 0 : i32
    %c0_i32_1 = arith.constant 0 : i32
    return %c0_i32, %c0_i32_0 : i32, i32
  }
  func.func @transform_3(%arg0: i32) -> (i32, i32) {
    %c0_i32 = arith.constant 0 : i32
    %c0_i32_0 = arith.constant 0 : i32
    %c0_i32_1 = arith.constant 0 : i32
    return %c0_i32, %c0_i32_0 : i32, i32
  }
  func.func @transform_4(%arg0: i32) -> (i32, i32) {
    %c0_i32 = arith.constant 0 : i32
    %c0_i32_0 = arith.constant 0 : i32
    return %arg0, %c0_i32 : i32, i32
  }
  func.func @transform_5(%arg0: i32) -> (i32, i32) {
    %c0_i32 = arith.constant 0 : i32
    %c0_i32_0 = arith.constant 0 : i32
    return %arg0, %c0_i32 : i32, i32
  }
}

</mosaic_0001>

<sc_bundles>
// kernel: kernel.10.cloned.1.call-start
scs
__scs_entry_jumppad:
0x0: {  	(pc) =	sbr.rel $0x88, $3  }
0x1: {  	(tag) =	ssettag $0x0;
	lr =	simm.s32 $0x1  }
0x2: {  	[smem:$0x3F9B] =	sst lr;
	_ =	strace $0xD0000000  }
0x3: {  	_ = 	snop  }
0x4: {  	_ = 	snop  }
0x5: {  	_ = 	snop  }
0x6: {  	_ = 	snop  }
0x7: {  	_ = 	snop  }
__scs_overlays_trampoline_lowered:
0x8: {  	[smem:$0x3FAA] =	sst s0  }
0x9: {  	[smem:$0x3FAB] =	sst s1  }
0xa: {  	[smem:$0x3FAC] =	sst s2  }
0xb: {  	[smem:$0x3FAD] =	sst s3  }
0xc: {  	[smem:$0x3FAE] =	sst s4  }
0xd: {  	[smem:$0x3FAF] =	sst s5  }
0xe: {  	[smem:$0x3FB0] =	sst s6  }
0xf: {  	[smem:$0x3FB1] =	sst s7  }
0x10: {  	[smem:$0x3FB2] =	sst s8  }
0x11: {  	[smem:$0x3FB3] =	sst s9;
	s0 =	simm.s32 @!p0 $0x0  }
0x12: {  	s1 =	sld [smem:$0x3F99];
	s0 =	simm.s32 @p0 $0x1  }
0x13: {  	[smem:$0x3FB4] =	sst s0;
	s0 =	simm.s32 @!p1 $0x0  }
0x14: {  	s2 =	sld [smem:$0x3F98];
	s0 =	simm.s32 @p1 $0x1  }
0x15: {  	[smem:$0x3FB5] =	sst s0;
	s0 =	simm.s32 @!p2 $0x0  }
0x16: {  	s3 =	sld [smem:$0x3FDB];
	s0 =	simm.s32 @p2 $0x1  }
0x17: {  	s4 =	simm.s32 $0x1BF5;
	[smem:$0x3FB7] =	sst s0  }
0x18: {  	s0 =	sld [smem:$0x3F9A];
	_ =	swait.ge [sflag:s4], $0x0  }
0x19: {  	s7 =	sld [smem:$0x3F9B]  }
0x1a: {  	s8 =	sadd.s32 $0xFFFFE003, lr  }
0x1b: {  	s9 =	sadd.s32 $0xFFFFFEF7, lr;
	s5 =	simm.s32 $0xFFFFFFFF;
	p2 =	slt.u32 s8, $0xFFFFF086  }
0x1c: {  	p1 =	slt.u32 s9, $0xF7A;
	s5 =	simm.s32 @!p2 $0x0  }
0x1d: {  	s5 =	simm.s32 @p1 $0x1;
	p0 =	seq.s32 s7, s2  }
0x1e: {  	s7 =	smul.u32 @!p0 $0xF7A, s2;
	p2 =	seq.s32 @!p0 s5, $0x0  }
0x1f: {  	s9 =	smul.u32 $0xF7A, s1;
	s8 =	simm.s32 @!p0 $0x1BF5;
	p2 =	por !p2, p0  }
0x20: {  	[sflag:s8] =	ssyncset.s32 @!p0 $0xFFFFF086;
	s6 =	sadd.s32 @!p0 s3, s7;
	s7 =	simm.s32 @!p0 $0x108  }
0x21: {  	s3 =	sadd.s32 s3, s9;
	s6 =	sadd.s32 @!p0 $0x88, s6;
	s7 =	simm.s32 @p2 $0x1082  }
0x22: {  	[simem:s7], [sflag:s8] =	dma.local @!p0 [hbm:s6], $0xF7A  }
0x23: {  	s9 =	sor.u32 $0xD0000000, s2;
	s6 =	simm.s32 $0x108;
	_ =	swait.ge @!p0 [sflag:s8], $0x0  }
0x24: {  	s3 =	sadd.s32 $0x88, s3;
	s6 =	simm.s32 @!p1 $0x1082;
	[sflag:s4] =	ssyncset.s32 $0xFFFFF086  }
0x25: {  	[simem:s6], [sflag:s4] =	dma.local [hbm:s3], $0xF7A  }
0x26: {  	[smem:$0x3F9B] =	sst s1;
	(tag) =	ssettag s2;
	_ =	strace s9  }
0x27: {  	s1 =	sld [smem:$0x3FAB]  }
0x28: {  	s2 =	sld [smem:$0x3FAC]  }
0x29: {  	s4 =	sld [smem:$0x3FAE]  }
0x2a: {  	p0 =	seq.s32 s5, $0x0;
	s5 =	sld [smem:$0x3FAF]  }
0x2b: {  	s6 =	sld [smem:$0x3FB0]  }
0x2c: {  	s7 =	sld [smem:$0x3FB1]  }
0x2d: {  	s3 =	simm.s32 $0x108;
	s8 =	sld [smem:$0x3FB2]  }
0x2e: {  	s3 =	simm.s32 @!p0 $0x1082;
	s9 =	sld [smem:$0x3FB3]  }
0x2f: {  	lr =	sadd.s32 s0, s3;
	s0 =	sld [smem:$0x3FAA]  }
0x30: {  	s3 =	sld [smem:$0x3FAD]  }
0x31: {  	[smem:$0x3FB6] =	sst s10  }
0x32: {  	s10 =	sld [smem:$0x3FB4];
	_ =	sdelay $0x3  }
0x33: {  	p0 =	seq.s32 s10, $0x1;
	s10 =	sld [smem:$0x3FB6];
	_ =	sdelay $0x3  }
0x34: {  	[smem:$0x3FB6] =	sst s10  }
0x35: {  	s10 =	sld [smem:$0x3FB5];
	_ =	sdelay $0x3  }
0x36: {  	p1 =	seq.s32 s10, $0x1;
	s10 =	sld [smem:$0x3FB6];
	_ =	sdelay $0x3  }
0x37: {  	[smem:$0x3FB6] =	sst s10  }
0x38: {  	s10 =	sld [smem:$0x3FB7]  }
0x39: {  	_ = 	snop;
	(pc) =	sbr.ind lr, $3  }
0x3a: {  	_ = 	snop  }
0x3b: {  	_ = 	snop  }
0x3c: {  	p2 =	seq.s32 s10, $0x1;
	s10 =	sld [smem:$0x3FB6]  }
0x3d: {  	_ =	shalt  }
0x3e: {  	_ =	shalt  }
0x3f: {  	_ =	shalt  }
0x40: {  	_ =	shalt  }
0x41: {  	_ =	shalt  }
0x42: {  	_ =	shalt  }
0x43: {  	_ =	shalt  }
0x44: {  	_ =	shalt  }
0x45: {  	_ =	shalt  }
0x46: {  	_ =	shalt  }
0x47: {  	_ =	shalt  }
0x48: {  	_ =	shalt  }
0x49: {  	_ =	shalt  }
0x4a: {  	_ =	shalt  }
0x4b: {  	_ =	shalt  }
0x4c: {  	_ =	shalt  }
0x4d: {  	_ =	shalt  }
0x4e: {  	_ =	shalt  }
0x4f: {  	_ =	shalt  }
0x50: {  	_ =	shalt  }
0x51: {  	_ =	shalt  }
0x52: {  	_ =	shalt  }
0x53: {  	_ =	shalt  }
0x54: {  	_ =	shalt  }
0x55: {  	_ =	shalt  }
0x56: {  	_ =	shalt  }
0x57: {  	_ =	shalt  }
0x58: {  	_ =	shalt  }
0x59: {  	_ =	shalt  }
0x5a: {  	_ =	shalt  }
0x5b: {  	_ =	shalt  }
0x5c: {  	_ =	shalt  }
0x5d: {  	_ =	shalt  }
0x5e: {  	_ =	shalt  }
0x5f: {  	_ =	shalt  }
0x60: {  	_ =	shalt  }
0x61: {  	_ =	shalt  }
0x62: {  	_ =	shalt  }
0x63: {  	_ =	shalt  }
0x64: {  	_ =	shalt  }
0x65: {  	_ =	shalt  }
0x66: {  	_ =	shalt  }
0x67: {  	_ =	shalt  }
0x68: {  	_ =	shalt  }
0x69: {  	_ =	shalt  }
0x6a: {  	_ =	shalt  }
0x6b: {  	_ =	shalt  }
0x6c: {  	_ =	shalt  }
0x6d: {  	_ =	shalt  }
0x6e: {  	_ =	shalt  }
0x6f: {  	_ =	shalt  }
0x70: {  	_ =	shalt  }
0x71: {  	_ =	shalt  }
0x72: {  	_ =	shalt  }
0x73: {  	_ =	shalt  }
0x74: {  	_ =	shalt  }
0x75: {  	_ =	shalt  }
0x76: {  	_ =	shalt  }
0x77: {  	_ =	shalt  }
0x78: {  	_ =	shalt  }
0x79: {  	_ =	shalt  }
0x7a: {  	_ =	shalt  }
0x7b: {  	_ =	shalt  }
0x7c: {  	_ =	shalt  }
0x7d: {  	_ =	shalt  }
0x7e: {  	_ =	shalt  }
0x7f: {  	_ =	shalt  }
0x80: {  	_ =	shalt  }
0x81: {  	_ =	shalt  }
0x82: {  	_ =	shalt  }
0x83: {  	_ =	shalt  }
0x84: {  	_ =	shalt  }
0x85: {  	_ =	shalt  }
0x86: {  	_ =	shalt  }
0x87: {  	_ =	shalt  }
.Lfunc_end0:
.L_simem_size_0:
called_computation.1_lowered:
.L_overlay_start_0:
0x88: {  	s2 =	sld [smem:$0x3FD9]  }
0x89: {  	s3 =	sld [smem:$0x3FFE];
	_ =	sdelay $0x1  }
0x8a: {  	s1 =	srdreg.scid  }
0x8b: {  	s0 =	sand.u32 $0x1, s1  }
0x8c: {  	s16 =	sshll.u32 s0, $0xA;
	s2 =	sadd.s32 s3, s2  }
0x8d: {  	s2 =	sadd.s32 s2, s16  }
0x8e: {  	[smem:$0x3FC2] =	sst s2  }
0x8f: {  	_ = 	snop  }
0x90: {  	(tm) =	ssettm $0x1  }
0x91: {  	s17 =	sld [smem:$0x3FFB];
	_ =	sdelay $0x3  }
0x92: {  	_ =	strace s17  }
0x93: {  	s2 =	sld [smem:$0x3FFC];
	_ =	sdelay $0x3  }
0x94: {  	_ =	strace s2  }
0x95: {  	s2 =	sld [smem:$0x3FFD];
	_ =	sdelay $0x3  }
0x96: {  	_ =	strace s2  }
0x97: {  	_ =	strace $0x8FFFFFFF  }
0x98: {  	s18 =	sld [smem:$0x3FDB];
	_ =	sdelay $0x1  }
0x99: {  	s19 =	simm.s32 $_scs_section_size  }
0x9a: {  	s4 =	simm.s32 $_size__tile_overlayer_lowered;
	s5 =	simm.s32 $_tile_overlayer_lowered  }
0x9b: {  	s22 =	simm.s32 $0x1BFF;
	s21 =	sshll.u32 s5, $0x1;
	s2 =	sadd.s32 s19, s18  }
0x9c: {  	s6 =	simm.s32 $0x0;
	s20 =	sshll.u32 s4, $0x1;
	s4 =	sadd.s32 s21, s2  }
0x9d: {  	[timem:s6], [sflag:s22] =	dma.local [hbm:s4], s20  }
0x9e: {  	_ =	swait.ge [sflag:s22], s20  }
0x9f: {  	s3 =	ssub.s32 $0x0, s20;
	[sflag:s22] =	ssyncset.done $0x0  }
0xa0: {  	[sflag:s22] =	ssyncadd.s32 s3;
	_ =	sdelay $0x1  }
0xa1: {  	s23 =	simm.s32 $0x1B8B  }
0xa2: {  	_ =	swait.ge [sflag:s23], $0x1  }
0xa3: {  	[sflag:s23] =	ssyncset.done $0x0  }
0xa4: {  	s25 =	simm.s32 $0x1B8E;
	s24 =	sld [smem:$0x3FFE];
	[sflag:s23] =	ssyncadd.s32 $0xFFFFFFFF  }
0xa5: {  	s26 =	simm.s32 $execute0_lowered;
	[smem:$0x3FD2] =	sst s25  }
0xa6: {  	s4 =	sshll.u32 s26, $0x1;
	_ =	strace $0x80000049;
	[dreg:$0x1] =	wrdreg $0xFFFFFFFF  }
0xa7: {  	s28 =	simm.s32 $_size_execute0_lowered;
	s2 =	sadd.s32 s2, s4;
	[dreg:$0x0] =	wrdreg $0x0  }
0xa8: {  	s4 =	sshll.u32 s28, $0x1;
	[dreg:$0x2] =	wrdreg s2  }
0xa9: {  	[dreg:$0x3] =	wrdreg s4  }
0xaa: {  	[dreg:$0x4] =	wrdreg $0xC0  }
0xab: {  	_ =	task [dreg:s6], $0x5FFFF  }
0xac: {  	[dreg:$0x1] =	wrdreg $0xFFFFFFFF  }
0xad: {  	[dreg:$0x0] =	wrdreg $0x60  }
0xae: {  	[dreg:$0x2] =	wrdreg s24  }
0xaf: {  	[dreg:$0x3] =	wrdreg $0xC2000  }
0xb0: {  	[dreg:$0x4] =	wrdreg $0x9  }
0xb1: {  	_ =	task.clear_ibuf [dreg:s6], $0x5FFFF;
	_ =	strace $0x90000049  }
0xb2: {  	s29 =	simm.s32 $0x9;
	_ =	strace $0x8000004B  }
0xb3: {  	_ =	swait.ge [sflag:s29], $0x1  }
0xb4: {  	[sflag:s29] =	ssyncadd.s32 $0xFFFFFFFF  }
0xb5: {  	_ =	strace $0x9000004B  }
0xb6: {  	_ =	sfence  }
0xb7: {  	s30 =	sld [smem:$0x0];
	_ =	sdelay $0x2  }
0xb8: {  	s31 =	sshll.u32 s1, $0xD;
	s1 =	sshrl.u32 s1, $0x2  }
0xb9: {  	s3 =	sand.u32 $0x4000, s31;
	s1 =	sadd.s32 s1, s30  }
0xba: {  	s0 =	sor.u32 s3, s0;
	s1 =	sshll.u32 s1, $0x11  }
0xbb: {  	s0 =	sor.u32 s1, s0  }
0xbc: {  	s0 =	sadd.s32 $0x8F2B, s0  }
0xbd: {  	[sflag:s0] =	ssyncadd.remote.s32 $0x1  }
0xbe: {  	_ =	sfence.sel $0xFFFF  }
0xbf: {  	[dreg:$0x0] =	wrdreg $0xFFFFFFFF;
	(pc) =	sbr.abs _section_cstart, $3  }
0xc0: {  	[dreg:$0x1] =	wrdreg $0xFFFFFFFF  }
0xc1: {  	_ =	task.clear_ibuf [dreg:s6], $0x2FFFF;
	_ =	strace $0x9FFFFFFF  }
0xc2: {  	(tm) =	ssettm $0x7FFFFFFF  }
0xc3: {  	_ =	shalt  }
tec
execute0_lowered:
.L_overlay_start_1:
0x0: {  	(tag) =	ssettag $0x1  }
0x1: {  	s7 =	rddreg [dreg:$0x0]  }
0x2: {  	s2 =	rddreg [dreg:$0x1]  }
0x3: {  	s0 =	stileid.u32;
	s3 =	srdreg.scid  }
0x4: {  	s1 =	rddreg [dreg:$0x2];
	s4 =	smul.u32 $0x1E, s0  }
0x5: {  	s21 =	simm.s32 $0x80;
	s22 =	simm.s32 $0x1;
	s5 =	smul.u32 $0x82, s0  }
0x6: {  	s24 =	simm.s32 $0x0;
	s6 =	sand.u32 $0x1, s3;
	s10 =	smul.u32 $0x4F000, s0  }
0x7: {  	s3 =	simm.s32 $0x0;
	s16 =	sadd.s32 $0x33200, s7;
	s12 =	smul.u32 $0x13C00, s0  }
0x8: {  	s23 =	sadd.s32 $0x128400, s2;
	p0 =	seq.s32 s6, $0x0;
	[smem:$0x7FF] =	sst s3  }
0x9: {  	s29 =	ssub.s32 $0x2, s6;
	s18 =	smul.u32 $0x140000, s6;
	s14 =	sadd.s32 $0x820, s4  }
0xa: {  	_ =	strace $0x8000004A;
	s4 =	sadd.s32 $0xB200, s7;
	s9 =	sshrl.u32 s29, $0x1  }
0xb: {  	s30 =	sshrl.u32 s10, $0x2;
	s14 =	smov.u32 @p0 s5;
	s17 =	ssub.s32 s29, s9  }
0xc: {  	s6 =	sadd.s32 s30, s2;
	s19 =	sadd.s32 s12, s18;
	s12 =	sadd.s32 $0x138400, s2  }
0xd: {  	s18 =	sshrl.u32 s18, $0x3;
	s5 =	sshll.u32 s14, $0x7;
	s9 =	sadd.s32 $0x8000, s6  }
0xe: {  	s10 =	sadd.s32 $0xC000, s6;
	s11 =	sadd.s32 $0x10000, s6;
	s19 =	sshrl.u32 s19, $0x3  }
0xf: {  	s20 =	sshll.u32 s14, $0x9;
	s17 =	smax.u32 s17, $0x1;
	s15 =	smin.u32 s5, $0x4BF00  }
0x10: {  	s5 =	simm.s32 $0x82;
	s14 =	sadd.s32 s16, s19;
	s16 =	sadd.s32 s16, s18  }
0x11: {  	s19 =	simm.s32 $0x8200;
	s8 =	sshrl.u32 s15, $0x3;
	s5 =	simm.s32 @!p0 $0x1E  }
0x12: {  	s15 =	sshll.u32 s15, $0x2;
	p0 =	seq.s32 s0, $0xF;
	s13 =	sadd.s32 s8, s7  }
0x13: {  	s7 =	sadd.s32 $0x32A00, s7;
	s8 =	sadd.s32 $0x4000, s6;
	s31 =	ssub.s32 s20, s15  }
0x14: {  	s15 =	sadd.s32 $0x25080, s16;
	s20 =	simm.s32 $0x2;
	s16 =	sshra.s32 s31, $0x2  }
0x15: {  	s23 =	sshrl.u32 @p0 s23, $0x3;
	s13 =	sadd.s32 $0x1200, s13;
	s18 =	sadd.s32 $0x4100, s16  }
.LBB2_1:
0x16: {  	[tilespmem:s19], [sflag:$0x2] =	stream.linear.gather [hbm4b:s7+s3], $0x4000, $0x38;
	[tilespmem:$0x1FAC0] =	vst v63  }
0x17: {  	_ =	swait.ge [sflag:s20], $0x4000  }
0x18: {  	[sflag:s20] =	ssyncset.done $0x0  }
0x19: {  	[sflag:s20] =	ssyncadd.s32 $0xFFFFC000  }
0x1a: {  	[spmem:s6] =	stream.linear.scatter [tilespmem:s19], [sflag:$0x2], $0x4000, $0x38;
	[tilespmem:$0x1FAC0] =	vst v63  }
0x1b: {  	_ =	swait.ge [sflag:s20], $0x4000  }
0x1c: {  	[sflag:s20] =	ssyncset.done $0x0  }
0x1d: {  	[sflag:s20] =	ssyncadd.s32 $0xFFFFC000  }
0x1e: {  	[spmem:s8] =	stream.linear.scatter [tilespmem:s19], [sflag:$0x2], $0x4000, $0x38;
	[tilespmem:$0x1FAC0] =	vst v63  }
0x1f: {  	_ =	swait.ge [sflag:s20], $0x4000  }
0x20: {  	[sflag:s20] =	ssyncset.done $0x0  }
0x21: {  	[sflag:s20] =	ssyncadd.s32 $0xFFFFC000  }
0x22: {  	[spmem:s9] =	stream.linear.scatter [tilespmem:s19], [sflag:$0x2], $0x4000, $0x38;
	[tilespmem:$0x1FAC0] =	vst v63  }
0x23: {  	_ =	swait.ge [sflag:s20], $0x4000  }
0x24: {  	[sflag:s20] =	ssyncset.done $0x0  }
0x25: {  	[sflag:s20] =	ssyncadd.s32 $0xFFFFC000  }
0x26: {  	[spmem:s10] =	stream.linear.scatter [tilespmem:s19], [sflag:$0x2], $0x4000, $0x38;
	[tilespmem:$0x1FAC0] =	vst v63  }
0x27: {  	_ =	swait.ge [sflag:s20], $0x4000  }
0x28: {  	[sflag:s20] =	ssyncset.done $0x0  }
0x29: {  	s25 =	simm.s32 @p0 $0x8200;
	[sflag:s20] =	ssyncadd.s32 $0xFFFFC000  }
0x2a: {  	[spmem:s12] =	stream.linear.scatter @p0 [tilespmem:s25], [sflag:$0x2], $0x800, $0x38;
	[tilespmem:$0x1FAC0] =	vst v63  }
0x2b: {  	s25 =	simm.s32 @p0 $0x2  }
0x2c: {  	_ =	swait.ge @p0 [sflag:s25], $0x800  }
0x2d: {  	[sflag:s25] =	ssyncset.done @p0 $0x0  }
0x2e: {  	[sflag:s25] =	ssyncadd.s32 @p0 $0xFFFFF800;
	s25 =	simm.s32 @!p0 $0x8200  }
0x2f: {  	[spmem:s11] =	stream.linear.scatter @!p0 [tilespmem:s25], [sflag:$0x2], $0x3C00, $0x38;
	[tilespmem:$0x1FAC0] =	vst v63  }
0x30: {  	s25 =	simm.s32 @!p0 $0x2  }
0x31: {  	_ =	swait.ge @!p0 [sflag:s25], $0x3C00  }
0x32: {  	[sflag:s25] =	ssyncset.done @!p0 $0x0  }
0x33: {  	[sflag:s25] =	ssyncadd.s32 @!p0 $0xFFFFC400  }
0x34: {  	[tilespmem:s3], [sflag:$0x2] =	stream.linear.gather [hbm4b:s13+s3], $0x4100, $0x38;
	[tilespmem:$0x1FAC0] =	vst v63  }
0x35: {  	_ =	swait.ge [sflag:s20], $0x4100  }
0x36: {  	[sflag:s20] =	ssyncset.done $0x0  }
0x37: {  	s25 =	simm.s32 $0x0;
	[sflag:s20] =	ssyncadd.s32 $0xFFFFBF00  }
0x38: {  	v0 =	vld [tilespmem:s25+$0x0];
	_ =	sdelay $0x4  }
0x39: {  	v1 =	vand.u32 $0xFFFF, v0  }
0x3a: {  	s28 =	simm.s32 $0x10;
	s26 =	simm.s32 $0x80;
	v0 =	vshra.s32 v0, $0x10;
	[tilespmem:s25+$0x0] =	vst v1  }
.LBB2_2:
0x3b: {  	p1 =	sne.s32 s26, $0x103C0;
	v1 =	vld [tilespmem:s28+$0x0];
	[tilespmem:s25+$0x4100] =	vst v0;
	s25 =	smov.u32 s28;
	_ =	sdelay $0x1  }
.Ltmp0:
0x3c: {  	(pc) =	sbr.rel @p1 .LBB2_2-.Ltmp0, $3  }
0x3d: {  	_ =	sdelay $0x1  }
0x3e: {  	v2 =	vand.u32 $0xFFFF, v1;
	v0 =	vshra.s32 v1, $0x10  }
0x3f: {  	s28 =	sshra.s32 s26, $0x2;
	s26 =	sadd.s32 $0x40, s26;
	[tilespmem:s25+$0x0] =	vst v2  }
0x40: {  	v1 =	vld [tilespmem:s28+$0x0];
	_ =	sdelay $0x4  }
0x41: {  	[tilespmem:s25+$0x4100] =	vst v0;
	v63 =	vand.u32 $0xFFFF, v1  }
0x42: {  	v1 =	vshra.s32 v1, $0x10;
	[tilespmem:s28+$0x0] =	vst v63  }
0x43: {  	[tilespmem:s28+$0x4100] =	vst v1  }
0x44: {  	[bflag:$0x0] =	sbarrier.arrive $0xFFFF  }
0x45: {  	[tilespmem:s19], [sflag:$0x1] =	stream.indirect.gather [hbm4b:s4+s21], $0x80, s16, s21, $0xb8;
	[tilespmem:$0x1FAC0] =	vst v63  }
0x46: {  	p1 =	sne.s32 s5, $0x1;
	_ =	swait.ge [sflag:s22], $0x4000  }
.Ltmp1:
0x47: {  	[sflag:s22] =	ssyncset.done $0x0;
	(pc) =	sbr.rel @!p1 .LBB2_5-.Ltmp1, $4  }
0x48: {  	[sflag:s22] =	ssyncadd.s32 $0xFFFFC000  }
0x49: {  	[spmem:s2] =	stream.indirect.scatter.add.f32 [tilespmem:s19], [sflag:$0x2], $0x80, s18, s21, $0xb8;
	[tilespmem:$0x1FAC0] =	vst v63  }
0x4a: {  	s25 =	sadd.s32 $0xFFFFFFFF, s5;
	_ =	swait.ge [sflag:s20], $0x4000  }
0x4b: {  	s26 =	smov.u32 s16;
	s28 =	smov.u32 s18;
	[sflag:s20] =	ssyncset.done $0x0  }
.LBB2_4:
0x4c: {  	[sflag:s20] =	ssyncadd.s32 $0xFFFFC000;
	s26 =	sadd.s32 $0x80, s26;
	s28 =	sadd.s32 $0x80, s28  }
0x4d: {  	[tilespmem:s19], [sflag:$0x1] =	stream.indirect.gather [hbm4b:s4+s21], $0x80, s26, s21, $0xb8;
	[tilespmem:$0x1FAC0] =	vst v63  }
0x4e: {  	p1 =	sne.s32 s25, $0x1;
	s25 =	sadd.s32 $0xFFFFFFFF, s25;
	_ =	swait.ge [sflag:s22], $0x4000  }
.Ltmp2:
0x4f: {  	[sflag:s22] =	ssyncset.done $0x0;
	(pc) =	sbr.rel @p1 .LBB2_4-.Ltmp2, $4  }
0x50: {  	[sflag:s22] =	ssyncadd.s32 $0xFFFFC000  }
0x51: {  	[spmem:s2] =	stream.indirect.scatter.add.f32 [tilespmem:s19], [sflag:$0x2], $0x80, s28, s21, $0xb8;
	[tilespmem:$0x1FAC0] =	vst v63  }
0x52: {  	_ =	swait.ge [sflag:s20], $0x4000  }
0x53: {  	[sflag:s20] =	ssyncset.done $0x0  }
.LBB2_5:
0x54: {  	[sflag:s20] =	ssyncadd.s32 $0xFFFFC000  }
0x55: {  	s25 =	simm.s32 @p0 $0x1FC2;
	[bflag:$0x0] =	sbarrier.arrive $0xFFFF  }
0x56: {  	[hbm:s15], [sflag:s25] =	dma.local @p0 [spmem:s23], $0x2100  }
0x57: {  	s25 =	simm.s32 @p0 $0x2  }
0x58: {  	s24 =	sadd.s32 $0x1, s24;
	_ =	swait.ge @p0 [sflag:s25], $0x2100  }
0x59: {  	s26 =	sshll.u32 @!p0 s0, $0x6;
	p1 =	sne.s32 s24, s17;
	[sflag:s25] =	ssyncset.done @p0 $0x0  }
0x5a: {  	[sflag:s25] =	ssyncadd.s32 @p0 $0xFFFFDF00;
	s25 =	sor.u32 @!p0 $0x1C02, s26;
	s26 =	sshrl.u32 @!p0 s6, $0x3  }
0x5b: {  	[hbm:s14], [sflag:s25] =	dma.local @!p0 [spmem:s26], $0x2780  }
.Ltmp3:
0x5c: {  	_ = 	snop;
	(pc) =	sbr.rel @p1 .LBB2_1-.Ltmp3, $4  }
0x5d: {  	s25 =	simm.s32 @!p0 $0x2  }
0x5e: {  	_ =	swait.ge @!p0 [sflag:s25], $0x2780  }
0x5f: {  	[sflag:s25] =	ssyncset.done @!p0 $0x0  }
0x60: {  	[sflag:s25] =	ssyncadd.s32 @!p0 $0xFFFFD880  }
0x61: {  	_ =	sfence.sel $0x180000  }
0x62: {  	[bflag:$0x0] =	sbarrier.arrive $0xFFFF  }
0x63: {  	p0 =	sne.s32 s0, $0x0;
	_ =	strace $0x9000004A  }
0x64: {  	s0 =	sadd.s32 @!p0 $0x100000, s1;
	[bflag:$0x2] =	sbarrier.arrive $0xFFFF  }
0x65: {  	[sflag:s0] =	ssyncadd.tile.s32 @!p0 $0x1;
	_ =	shalt  }
.Lfunc_end2:
_tile_overlayer_lowered:
.L_overlay_start_2:
0x66: {  	(tag) =	ssettag $0x2  }
0x67: {  	s0 =	rddreg [dreg:$0x0];
	s2 =	stileid.u32  }
0x68: {  	s1 =	rddreg [dreg:$0x1];
	p0 =	sne.s32 s2, $0x0  }
0x69: {  	s3 =	rddreg [dreg:$0x2];
	[bflag:$0x3] =	sbarrier.arrive $0xFFFF;
	s2 =	simm.s32 @!p0 $0x1C02  }
0x6a: {  	[timem:s3], [sflag:s2] =	dma.local @!p0 [hbm:s0], s1  }
0x6b: {  	s0 =	simm.s32 @!p0 $0x2  }
0x6c: {  	_ =	swait.ge @!p0 [sflag:s0], s1  }
0x6d: {  	s1 =	ssub.s32 @!p0 $0x0, s1;
	[sflag:s0] =	ssyncset.done @!p0 $0x0  }
0x6e: {  	[sflag:s0] =	ssyncadd.s32 @!p0 s1  }
0x6f: {  	[bflag:$0x3] =	sbarrier.arrive $0xFFFF  }
0x70: {  	_ =	shalt  }

// kernel: kernel.7.cloned.1.call-start
scs
__scs_entry_jumppad:
0x0: {  	(pc) =	sbr.rel $0x88, $3  }
0x1: {  	(tag) =	ssettag $0x0;
	lr =	simm.s32 $0x1  }
0x2: {  	[smem:$0x3F9B] =	sst lr;
	_ =	strace $0xD0000000  }
0x3: {  	_ = 	snop  }
0x4: {  	_ = 	snop  }
0x5: {  	_ = 	snop  }
0x6: {  	_ = 	snop  }
0x7: {  	_ = 	snop  }
__scs_overlays_trampoline_lowered:
0x8: {  	[smem:$0x3FAA] =	sst s0  }
0x9: {  	[smem:$0x3FAB] =	sst s1  }
0xa: {  	[smem:$0x3FAC] =	sst s2  }
0xb: {  	[smem:$0x3FAD] =	sst s3  }
0xc: {  	[smem:$0x3FAE] =	sst s4  }
0xd: {  	[smem:$0x3FAF] =	sst s5  }
0xe: {  	[smem:$0x3FB0] =	sst s6  }
0xf: {  	[smem:$0x3FB1] =	sst s7  }
0x10: {  	[smem:$0x3FB2] =	sst s8  }
0x11: {  	[smem:$0x3FB3] =	sst s9;
	s0 =	simm.s32 @!p0 $0x0  }
0x12: {  	s1 =	sld [smem:$0x3F99];
	s0 =	simm.s32 @p0 $0x1  }
0x13: {  	[smem:$0x3FB4] =	sst s0;
	s0 =	simm.s32 @!p1 $0x0  }
0x14: {  	s2 =	sld [smem:$0x3F98];
	s0 =	simm.s32 @p1 $0x1  }
0x15: {  	[smem:$0x3FB5] =	sst s0;
	s0 =	simm.s32 @!p2 $0x0  }
0x16: {  	s3 =	sld [smem:$0x3FDB];
	s0 =	simm.s32 @p2 $0x1  }
0x17: {  	s4 =	simm.s32 $0x1BF5;
	[smem:$0x3FB7] =	sst s0  }
0x18: {  	s0 =	sld [smem:$0x3F9A];
	_ =	swait.ge [sflag:s4], $0x0  }
0x19: {  	s7 =	sld [smem:$0x3F9B]  }
0x1a: {  	s8 =	sadd.s32 $0xFFFFE003, lr  }
0x1b: {  	s9 =	sadd.s32 $0xFFFFFEF7, lr;
	s5 =	simm.s32 $0xFFFFFFFF;
	p2 =	slt.u32 s8, $0xFFFFF086  }
0x1c: {  	p1 =	slt.u32 s9, $0xF7A;
	s5 =	simm.s32 @!p2 $0x0  }
0x1d: {  	s5 =	simm.s32 @p1 $0x1;
	p0 =	seq.s32 s7, s2  }
0x1e: {  	s7 =	smul.u32 @!p0 $0xF7A, s2;
	p2 =	seq.s32 @!p0 s5, $0x0  }
0x1f: {  	s9 =	smul.u32 $0xF7A, s1;
	s8 =	simm.s32 @!p0 $0x1BF5;
	p2 =	por !p2, p0  }
0x20: {  	[sflag:s8] =	ssyncset.s32 @!p0 $0xFFFFF086;
	s6 =	sadd.s32 @!p0 s3, s7;
	s7 =	simm.s32 @!p0 $0x108  }
0x21: {  	s3 =	sadd.s32 s3, s9;
	s6 =	sadd.s32 @!p0 $0x88, s6;
	s7 =	simm.s32 @p2 $0x1082  }
0x22: {  	[simem:s7], [sflag:s8] =	dma.local @!p0 [hbm:s6], $0xF7A  }
0x23: {  	s9 =	sor.u32 $0xD0000000, s2;
	s6 =	simm.s32 $0x108;
	_ =	swait.ge @!p0 [sflag:s8], $0x0  }
0x24: {  	s3 =	sadd.s32 $0x88, s3;
	s6 =	simm.s32 @!p1 $0x1082;
	[sflag:s4] =	ssyncset.s32 $0xFFFFF086  }
0x25: {  	[simem:s6], [sflag:s4] =	dma.local [hbm:s3], $0xF7A  }
0x26: {  	[smem:$0x3F9B] =	sst s1;
	(tag) =	ssettag s2;
	_ =	strace s9  }
0x27: {  	s1 =	sld [smem:$0x3FAB]  }
0x28: {  	s2 =	sld [smem:$0x3FAC]  }
0x29: {  	s4 =	sld [smem:$0x3FAE]  }
0x2a: {  	p0 =	seq.s32 s5, $0x0;
	s5 =	sld [smem:$0x3FAF]  }
0x2b: {  	s6 =	sld [smem:$0x3FB0]  }
0x2c: {  	s7 =	sld [smem:$0x3FB1]  }
0x2d: {  	s3 =	simm.s32 $0x108;
	s8 =	sld [smem:$0x3FB2]  }
0x2e: {  	s3 =	simm.s32 @!p0 $0x1082;
	s9 =	sld [smem:$0x3FB3]  }
0x2f: {  	lr =	sadd.s32 s0, s3;
	s0 =	sld [smem:$0x3FAA]  }
0x30: {  	s3 =	sld [smem:$0x3FAD]  }
0x31: {  	[smem:$0x3FB6] =	sst s10  }
0x32: {  	s10 =	sld [smem:$0x3FB4];
	_ =	sdelay $0x3  }
0x33: {  	p0 =	seq.s32 s10, $0x1;
	s10 =	sld [smem:$0x3FB6];
	_ =	sdelay $0x3  }
0x34: {  	[smem:$0x3FB6] =	sst s10  }
0x35: {  	s10 =	sld [smem:$0x3FB5];
	_ =	sdelay $0x3  }
0x36: {  	p1 =	seq.s32 s10, $0x1;
	s10 =	sld [smem:$0x3FB6];
	_ =	sdelay $0x3  }
0x37: {  	[smem:$0x3FB6] =	sst s10  }
0x38: {  	s10 =	sld [smem:$0x3FB7]  }
0x39: {  	_ = 	snop;
	(pc) =	sbr.ind lr, $3  }
0x3a: {  	_ = 	snop  }
0x3b: {  	_ = 	snop  }
0x3c: {  	p2 =	seq.s32 s10, $0x1;
	s10 =	sld [smem:$0x3FB6]  }
0x3d: {  	_ =	shalt  }
0x3e: {  	_ =	shalt  }
0x3f: {  	_ =	shalt  }
0x40: {  	_ =	shalt  }
0x41: {  	_ =	shalt  }
0x42: {  	_ =	shalt  }
0x43: {  	_ =	shalt  }
0x44: {  	_ =	shalt  }
0x45: {  	_ =	shalt  }
0x46: {  	_ =	shalt  }
0x47: {  	_ =	shalt  }
0x48: {  	_ =	shalt  }
0x49: {  	_ =	shalt  }
0x4a: {  	_ =	shalt  }
0x4b: {  	_ =	shalt  }
0x4c: {  	_ =	shalt  }
0x4d: {  	_ =	shalt  }
0x4e: {  	_ =	shalt  }
0x4f: {  	_ =	shalt  }
0x50: {  	_ =	shalt  }
0x51: {  	_ =	shalt  }
0x52: {  	_ =	shalt  }
0x53: {  	_ =	shalt  }
0x54: {  	_ =	shalt  }
0x55: {  	_ =	shalt  }
0x56: {  	_ =	shalt  }
0x57: {  	_ =	shalt  }
0x58: {  	_ =	shalt  }
0x59: {  	_ =	shalt  }
0x5a: {  	_ =	shalt  }
0x5b: {  	_ =	shalt  }
0x5c: {  	_ =	shalt  }
0x5d: {  	_ =	shalt  }
0x5e: {  	_ =	shalt  }
0x5f: {  	_ =	shalt  }
0x60: {  	_ =	shalt  }
0x61: {  	_ =	shalt  }
0x62: {  	_ =	shalt  }
0x63: {  	_ =	shalt  }
0x64: {  	_ =	shalt  }
0x65: {  	_ =	shalt  }
0x66: {  	_ =	shalt  }
0x67: {  	_ =	shalt  }
0x68: {  	_ =	shalt  }
0x69: {  	_ =	shalt  }
0x6a: {  	_ =	shalt  }
0x6b: {  	_ =	shalt  }
0x6c: {  	_ =	shalt  }
0x6d: {  	_ =	shalt  }
0x6e: {  	_ =	shalt  }
0x6f: {  	_ =	shalt  }
0x70: {  	_ =	shalt  }
0x71: {  	_ =	shalt  }
0x72: {  	_ =	shalt  }
0x73: {  	_ =	shalt  }
0x74: {  	_ =	shalt  }
0x75: {  	_ =	shalt  }
0x76: {  	_ =	shalt  }
0x77: {  	_ =	shalt  }
0x78: {  	_ =	shalt  }
0x79: {  	_ =	shalt  }
0x7a: {  	_ =	shalt  }
0x7b: {  	_ =	shalt  }
0x7c: {  	_ =	shalt  }
0x7d: {  	_ =	shalt  }
0x7e: {  	_ =	shalt  }
0x7f: {  	_ =	shalt  }
0x80: {  	_ =	shalt  }
0x81: {  	_ =	shalt  }
0x82: {  	_ =	shalt  }
0x83: {  	_ =	shalt  }
0x84: {  	_ =	shalt  }
0x85: {  	_ =	shalt  }
0x86: {  	_ =	shalt  }
0x87: {  	_ =	shalt  }
.Lfunc_end0:
.L_simem_size_0:
called_computation_lowered:
.L_overlay_start_0:
0x88: {  	s2 =	sld [smem:$0x3FD9]  }
0x89: {  	s3 =	sld [smem:$0x3FFE];
	_ =	sdelay $0x1  }
0x8a: {  	s1 =	srdreg.scid  }
0x8b: {  	s0 =	sand.u32 $0x1, s1  }
0x8c: {  	s17 =	sshll.u32 s0, $0xA;
	s2 =	sadd.s32 s3, s2  }
0x8d: {  	s2 =	sadd.s32 s2, s17  }
0x8e: {  	[smem:$0x3FC2] =	sst s2  }
0x8f: {  	_ = 	snop  }
0x90: {  	s2 =	sld [smem:$0x3FD0];
	(tm) =	ssettm $0x1  }
0x91: {  	s18 =	sld [smem:$0x3FFB];
	_ =	sdelay $0x3  }
0x92: {  	_ =	strace s18  }
0x93: {  	s3 =	sld [smem:$0x3FFC];
	_ =	sdelay $0x3  }
0x94: {  	_ =	strace s3  }
0x95: {  	s3 =	sld [smem:$0x3FFD];
	_ =	sdelay $0x3  }
0x96: {  	_ =	strace s3  }
0x97: {  	_ =	strace $0x8FFFFFFF  }
0x98: {  	s19 =	sld [smem:$0x3FDB];
	_ =	sdelay $0x1  }
0x99: {  	s4 =	simm.s32 $_scs_section_size  }
0x9a: {  	s5 =	simm.s32 $_size__tile_overlayer_lowered;
	s6 =	simm.s32 $_tile_overlayer_lowered  }
0x9b: {  	s22 =	simm.s32 $0x1BFF;
	s21 =	sshll.u32 s6, $0x1;
	s3 =	sadd.s32 s4, s19  }
0x9c: {  	s7 =	simm.s32 $0x0;
	s20 =	sshll.u32 s5, $0x1;
	s5 =	sadd.s32 s21, s3  }
0x9d: {  	[timem:s7], [sflag:s22] =	dma.local [hbm:s5], s20  }
0x9e: {  	_ =	swait.ge [sflag:s22], s20  }
0x9f: {  	s4 =	ssub.s32 $0x0, s20;
	[sflag:s22] =	ssyncset.done $0x0  }
0xa0: {  	[sflag:s22] =	ssyncadd.s32 s4;
	_ =	sdelay $0x1  }
0xa1: {  	s23 =	simm.s32 $0x1B8B  }
0xa2: {  	_ =	swait.ge [sflag:s23], $0x1  }
0xa3: {  	[sflag:s23] =	ssyncset.done $0x0  }
0xa4: {  	s25 =	simm.s32 $0x1B8E;
	s24 =	sld [smem:$0x3FFE];
	[sflag:s23] =	ssyncadd.s32 $0xFFFFFFFF  }
0xa5: {  	s26 =	simm.s32 $execute0_lowered;
	[smem:$0x3FD2] =	sst s25  }
0xa6: {  	s5 =	sshll.u32 s26, $0x1;
	_ =	strace $0x80000046;
	[dreg:$0x1] =	wrdreg $0xFFFFFFFF  }
0xa7: {  	s28 =	simm.s32 $_size_execute0_lowered;
	s3 =	sadd.s32 s3, s5;
	[dreg:$0x0] =	wrdreg $0x0  }
0xa8: {  	s5 =	sshll.u32 s28, $0x1;
	[dreg:$0x2] =	wrdreg s3  }
0xa9: {  	[dreg:$0x3] =	wrdreg s5  }
0xaa: {  	[dreg:$0x4] =	wrdreg $0xC0  }
0xab: {  	_ =	task [dreg:s7], $0x5FFFF  }
0xac: {  	[dreg:$0x1] =	wrdreg $0xFFFFFFFF  }
0xad: {  	[dreg:$0x0] =	wrdreg $0x60  }
0xae: {  	[dreg:$0x2] =	wrdreg s24  }
0xaf: {  	[dreg:$0x3] =	wrdreg s2  }
0xb0: {  	[dreg:$0x4] =	wrdreg $0x9  }
0xb1: {  	_ =	task.clear_ibuf [dreg:s7], $0x5FFFF;
	_ =	strace $0x90000046  }
0xb2: {  	s29 =	simm.s32 $0x9;
	_ =	strace $0x80000048  }
0xb3: {  	_ =	swait.ge [sflag:s29], $0x1  }
0xb4: {  	[sflag:s29] =	ssyncadd.s32 $0xFFFFFFFF  }
0xb5: {  	_ =	strace $0x90000048  }
0xb6: {  	_ =	sfence  }
0xb7: {  	s30 =	sld [smem:$0x0];
	_ =	sdelay $0x2  }
0xb8: {  	s31 =	sshll.u32 s1, $0xD;
	s1 =	sshrl.u32 s1, $0x2  }
0xb9: {  	s3 =	sand.u32 $0x4000, s31;
	s1 =	sadd.s32 s1, s30  }
0xba: {  	s0 =	sor.u32 s3, s0;
	s1 =	sshll.u32 s1, $0x11  }
0xbb: {  	s0 =	sor.u32 s1, s0  }
0xbc: {  	s0 =	sadd.s32 $0x8F2B, s0  }
0xbd: {  	[sflag:s0] =	ssyncadd.remote.s32 $0x1  }
0xbe: {  	_ =	sfence.sel $0xFFFF  }
0xbf: {  	[dreg:$0x0] =	wrdreg $0xFFFFFFFF;
	(pc) =	sbr.abs _section_cstart, $3  }
0xc0: {  	[dreg:$0x1] =	wrdreg $0xFFFFFFFF  }
0xc1: {  	_ =	task.clear_ibuf [dreg:s7], $0x2FFFF;
	_ =	strace $0x9FFFFFFF  }
0xc2: {  	(tm) =	ssettm $0x7FFFFFFF  }
0xc3: {  	_ =	shalt  }
tec
execute0_lowered:
.L_overlay_start_1:
0x0: {  	(tag) =	ssettag $0x1  }
0x1: {  	s3 =	rddreg [dreg:$0x0];
	s0 =	stileid.u32  }
0x2: {  	s1 =	srdreg.scid;
	s5 =	rddreg [dreg:$0x1]  }
0x3: {  	s11 =	simm.s32 $0x6C00;
	s12 =	simm.s32 $0x80;
	s2 =	smul.u32 $0xC00, s0  }
0x4: {  	s13 =	simm.s32 $0x100;
	s14 =	simm.s32 $0x0;
	s6 =	smul.u32 $0x4400, s0  }
0x5: {  	s4 =	sand.u32 $0x1, s1;
	s1 =	rddreg [dreg:$0x2];
	s9 =	smul.u32 $0x5000, s0  }
0x6: {  	p0 =	seq.s32 s4, $0x0;
	s29 =	smul.u32 $0x50000, s4;
	s4 =	ssub.s32 $0x2, s4  }
0x7: {  	s7 =	sadd.s32 $0x44000, s2;
	s2 =	simm.s32 $0x0;
	s30 =	sshrl.u32 s4, $0x1  }
0x8: {  	s7 =	smov.u32 @p0 s6;
	[smem:$0x7FF] =	sst s2;
	s6 =	sadd.s32 s9, s29  }
0x9: {  	s31 =	ssub.s32 s4, s30;
	s9 =	simm.s32 $0x1;
	s8 =	smin.u32 s7, $0x4BC00  }
0xa: {  	_ =	strace $0x80000047;
	s6 =	sshrl.u32 s6, $0x3;
	s10 =	sshrl.u32 s8, $0x3  }
0xb: {  	s4 =	ssub.s32 s7, s8;
	s5 =	sadd.s32 s5, s6;
	s8 =	smax.u32 s31, $0x1  }
0xc: {  	s10 =	sadd.s32 s10, s3;
	s3 =	simm.s32 $0x440;
	s7 =	sadd.s32 $0x10, s5  }
0xd: {  	v0 =	vimm.f32 $0.0e+00;
	v1 =	vimm.f32 $1.000000000e+00;
	s3 =	simm.s32 @!p0 $0xC0;
	s6 =	sadd.s32 $0x1200, s10;
	s10 =	simm.s32 $0x4400  }
.LBB2_1:
0xe: {  	s15 =	simm.s32 $0x40;
	s16 =	simm.s32 $0x0  }
.LBB2_2:
0xf: {  	p0 =	sne.s32 s15, $0x9FC0;
	[tilespmem:s16+$0x4400] =	vst v0;
	s17 =	smov.u32 s15;
	s15 =	sadd.s32 $0x40, s15  }
.Ltmp0:
0x10: {  	[tilespmem:s16+$0x6C00] =	vst v0;
	(pc) =	sbr.rel @p0 .LBB2_2-.Ltmp0, $2  }
0x11: {  	_ =	sdelay $0x2  }
0x12: {  	s16 =	sshra.s32 s17, $0x2  }
0x13: {  	[tilespmem:s16+$0x4400] =	vst v0  }
0x14: {  	[tilespmem:s16+$0x6C00] =	vst v0;
	p0 =	sne.s32 s3, $0x1  }
0x15: {  	[tilespmem:s2], [sflag:$0x1] =	stream.linear.gather [hbm4b:s6+s2], $0x4400, $0x38;
	[tilespmem:$0x9400] =	vst v63  }
.Ltmp1:
0x16: {  	_ =	swait.ge [sflag:s9], $0x4400;
	(pc) =	sbr.rel @!p0 .LBB2_5-.Ltmp1, $4  }
0x17: {  	[sflag:s9] =	ssyncset.done $0x0  }
0x18: {  	[sflag:s9] =	ssyncadd.s32 $0xFFFFBC00  }
0x19: {  	v2 =	vld [tilespmem:s4+$0x0]  }
0x1a: {  	s15 =	sadd.s32 $0xFFFFFFFF, s3;
	s16 =	smov.u32 s4  }
.LBB2_4:
0x1b: {  	p0 =	sne.s32 s15, $0x1;
	_ =	sdelay $0x2  }
0x1c: {  	v3 =	vand.u32 $0xFFFF, v2;
	v2 =	vshra.s32 v2, $0x10;
	_ =	sdelay $0x3  }
.Ltmp2:
0x1d: {  	(pc) =	sbr.rel @p0 .LBB2_4-.Ltmp2, $4  }
0x1e: {  	[tilespmem:v3+s10+$0x0] =	vst.idx.add.f32.msk $0xffff, v1  }
0x1f: {  	s16 =	sadd.s32 $0x10, s16;
	[tilespmem:v2+s11+$0x0] =	vst.idx.add.f32.msk $0xffff, v1  }
0x20: {  	v2 =	vld [tilespmem:s16+$0x0]  }
0x21: {  	s15 =	sadd.s32 $0xFFFFFFFF, s15  }
.LBB2_5:
0x22: {  	_ =	sdelay $0x2  }
0x23: {  	v3 =	vand.u32 $0xFFFF, v2  }
0x24: {  	v2 =	vshra.s32 v2, $0x10;
	_ =	sdelay $0x3  }
0x25: {  	[tilespmem:v3+s10+$0x0] =	vst.idx.add.f32.msk $0xffff, v1  }
0x26: {  	[tilespmem:v2+s11+$0x0] =	vst.idx.add.f32.msk $0xffff, v1  }
0x27: {  	[hbm4b:s5+s12] =	stream.strided.scatter [tilespmem:s10], [sflag:$0x1], $0x2800, s13, s12, $0x38;
	[tilespmem:$0x9400] =	vst v63  }
0x28: {  	s14 =	sadd.s32 $0x1, s14;
	_ =	swait.ge [sflag:s9], $0x2800  }
0x29: {  	p0 =	sne.s32 s14, s8;
	[sflag:s9] =	ssyncset.done $0x0  }
.Ltmp3:
0x2a: {  	[sflag:s9] =	ssyncadd.s32 $0xFFFFD800;
	(pc) =	sbr.rel @p0 .LBB2_1-.Ltmp3, $4  }
0x2b: {  	[hbm4b:s7+s12] =	stream.strided.scatter [tilespmem:s11], [sflag:$0x1], $0x2800, s13, s12, $0x38;
	[tilespmem:$0x9400] =	vst v63  }
0x2c: {  	_ =	swait.ge [sflag:s9], $0x2800  }
0x2d: {  	[sflag:s9] =	ssyncset.done $0x0  }
0x2e: {  	[sflag:s9] =	ssyncadd.s32 $0xFFFFD800  }
0x2f: {  	_ =	sfence.sel $0x180000  }
0x30: {  	[bflag:$0x0] =	sbarrier.arrive $0xFFFF  }
0x31: {  	p0 =	sne.s32 s0, $0x0;
	_ =	strace $0x90000047  }
0x32: {  	s0 =	sadd.s32 @!p0 $0x100000, s1;
	[bflag:$0x2] =	sbarrier.arrive $0xFFFF  }
0x33: {  	[sflag:s0] =	ssyncadd.tile.s32 @!p0 $0x1;
	_ =	shalt  }
.Lfunc_end2:
_tile_overlayer_lowered:
.L_overlay_start_2:
0x34: {  	(tag) =	ssettag $0x2  }
0x35: {  	s0 =	rddreg [dreg:$0x0];
	s2 =	stileid.u32  }
0x36: {  	s1 =	rddreg [dreg:$0x1];
	p0 =	sne.s32 s2, $0x0  }
0x37: {  	s3 =	rddreg [dreg:$0x2];
	[bflag:$0x3] =	sbarrier.arrive $0xFFFF;
	s2 =	simm.s32 @!p0 $0x1C01  }
0x38: {  	[timem:s3], [sflag:s2] =	dma.local @!p0 [hbm:s0], s1  }
0x39: {  	s0 =	simm.s32 @!p0 $0x1  }
0x3a: {  	_ =	swait.ge @!p0 [sflag:s0], s1  }
0x3b: {  	s1 =	ssub.s32 @!p0 $0x0, s1;
	[sflag:s0] =	ssyncset.done @!p0 $0x0  }
0x3c: {  	[sflag:s0] =	ssyncadd.s32 @!p0 s1  }
0x3d: {  	[bflag:$0x3] =	sbarrier.arrive $0xFFFF  }
0x3e: {  	_ =	shalt  }

</sc_bundles>
